<compile_context>
chip_gen: v7x
topology: tpu7x:2x2x1
jax: 0.10.2.dev20260603
libtpu: 0.0.44.dev20260713+nightly
codegen_flags: <defaults>
</compile_context>

<pallas_src>
import jax
import jax.numpy as jnp
from jax import lax
from jax.experimental import pallas as pl
from jax.experimental.pallas import tpu as pltpu
from jax.experimental.pallas import tpu_sc as plsc

_B = 4096
_L = 200
_H = 64
_LANES = 16
_NC = 2
_NS = 16
_NW = _NC * _NS
_BT = _B // 128
_ITEMS = _L * _BT
_IPW = _ITEMS // _NW
_NBUF = 4
_NT = 2
_EPS = 1e-12
_GRPS = 128 // _LANES


def _rsqrt_vec(x):
    i = plsc.bitcast(x, jnp.int32)
    i = jnp.int32(0x5F3759DF) - lax.shift_right_arithmetic(i, 1)
    y = plsc.bitcast(i, jnp.float32)
    y = y * (1.5 - 0.5 * x * y * y)
    return y * (1.5 - 0.5 * x * y * y)


def _splat(ref, r, c):
    idx = jnp.full((_LANES,), r, jnp.int32)
    cdx = jnp.full((_LANES,), c, jnp.int32)
    return plsc.load_gather(ref, (idx, cdx))


_TSLAB = 128
_NSLAB = 1000000 // _TSLAB


def _tr_body(tt_hbm, out_hbm, inb, outb, isem2, osem2):
    w = lax.axis_index("s") * _NC + lax.axis_index("c")
    iota = lax.iota(jnp.int32, _LANES)
    par = (iota & 1) * _H
    ids_g = [iota + g * _LANES for g in range(_GRPS)]
    rh_g = [lax.shift_right_logical(ids_g[g], 1) for g in range(_GRPS)]

    nloc = lax.div(_NSLAB - 1 - w, _NW) + 1

    def in_slice(k, slot):
        s = w + k * _NW
        return (tt_hbm.at[:, pl.ds(s * _TSLAB, _TSLAB)], inb.at[slot])

    for j in range(2):
        @pl.when(j < nloc)
        def _():
            src, dst = in_slice(j, j)
            pltpu.async_copy(src, dst, isem2.at[j])

    def slab_body(k, carry):
        s = w + k * _NW
        sl = lax.rem(k, 2)
        src, dst = in_slice(k, sl)
        pltpu.make_async_copy(src, dst, isem2.at[sl]).wait()

        @pl.when(k >= 2)
        def _():
            ps = w + (k - 2) * _NW
            pltpu.make_async_copy(outb.at[sl],
                                  out_hbm.at[pl.ds(ps * (_TSLAB // 2),
                                                   _TSLAB // 2)],
                                  osem2.at[sl]).wait()

        @plsc.parallel_loop(0, _H, unroll=4)
        def tr(h):
            hd = h + iota
            hd = jnp.where(hd >= _H, hd - _H, hd)
            cc = hd + par
            for g in range(_GRPS):
                x = plsc.load_gather(inb.at[sl], (hd, ids_g[g]))
                plsc.store_scatter(outb.at[sl], (rh_g[g], cc), x)

        del tr
        pltpu.async_copy(outb.at[sl],
                         out_hbm.at[pl.ds(s * (_TSLAB // 2), _TSLAB // 2)],
                         osem2.at[sl])

        @pl.when(k + 2 < nloc)
        def _():
            src2, dst2 = in_slice(k + 2, sl)
            pltpu.async_copy(src2, dst2, isem2.at[sl])

        return carry

    lax.fori_loop(0, nloc, slab_body, 0)

    for j in range(2):
        kk = nloc - 2 + j

        @pl.when(kk >= 0)
        def _():
            ps = w + kk * _NW
            pltpu.make_async_copy(
                outb.at[lax.rem(kk, 2)],
                out_hbm.at[pl.ds(ps * (_TSLAB // 2), _TSLAB // 2)],
                osem2.at[lax.rem(kk, 2)]).wait()



@jax.jit
def _tr_call(table_t):
    mesh = plsc.VectorSubcoreMesh(
        core_axis_name="c", subcore_axis_name="s",
        num_cores=_NC, num_subcores=_NS)
    fn = pl.kernel(
        _tr_body,
        out_type=jax.ShapeDtypeStruct((500000, 128), jnp.float32),
        mesh=mesh,
        compiler_params=pltpu.CompilerParams(
            needs_layout_passes=False, use_tc_tiling_on_sc=True),
        scratch_types=[
            pltpu.VMEM((2, _H, _TSLAB), jnp.float32),
            pltpu.VMEM((2, _TSLAB // 2, 128), jnp.float32),
            pltpu.SemaphoreType.DMA((2,)),
            pltpu.SemaphoreType.DMA((2,)),
        ],
    )
    return fn(table_t)


def _sc_body(ids_hbm, table_hbm, pos_hbm, gamma_hbm, beta_hbm, out_hbm,
             pos_v, gb_v, idxr, bufs, tiles, isem, gsem, osem):
    w = lax.axis_index("s") * _NC + lax.axis_index("c")
    m0 = w * _IPW

    pltpu.sync_copy(pos_hbm, pos_v)
    pltpu.sync_copy(gamma_hbm, gb_v.at[0])
    pltpu.sync_copy(beta_hbm, gb_v.at[1])

    iota = lax.iota(jnp.int32, _LANES)
    rows_g = [iota + g * _LANES for g in range(_GRPS)]

    def lbt(m):
        return lax.div(m, _BT), lax.rem(m, _BT)

    def issue_idx(m, slot):
        l, bt = lbt(m)
        pltpu.async_copy(ids_hbm.at[l, pl.ds(bt * 128, 128)],
                         idxr.at[slot], isem.at[slot])

    def issue_gather(slot):
        pltpu.async_copy(table_hbm.at[idxr.at[slot]], bufs.at[slot],
                         gsem.at[slot])

    for j in range(_NBUF):
        issue_idx(m0 + j, j)
    for j in range(3):
        pltpu.make_async_copy(ids_hbm.at[0, pl.ds(0, 128)], idxr.at[j],
                              isem.at[j]).wait()
        issue_gather(j)

    def item_body(i, carry):
        b = lax.rem(i, _NBUF)
        t = lax.rem(i, _NT)
        m = m0 + i
        l, bt = lbt(m)

        pltpu.make_async_copy(table_hbm.at[idxr.at[b]], bufs.at[b],
                              gsem.at[b]).wait()

        @pl.when(i >= _NT)
        def _():
            pltpu.make_async_copy(table_hbm.at[pl.ds(0, 128)], bufs.at[b],
                                  osem.at[t]).wait()

        zero = jnp.zeros((_LANES,), jnp.float32)

        lsplat = jnp.full((_LANES,), l, jnp.int32)

        def half_pass1(g0):
            init = (tuple(zero for _ in range(4)),
                    tuple(zero for _ in range(4)))

            @plsc.parallel_loop(0, _H, unroll=4, carry=init)
            def hp(h, c):
                sums, sqs = c
                hd = h + iota
                hd = jnp.where(hd >= _H, hd - _H, hd)
                p = plsc.load_gather(pos_v, (lsplat, hd))
                ns, nq = [], []
                for k in range(4):
                    g = g0 + k
                    x = plsc.load_gather(bufs.at[b], (rows_g[g], hd)) + p
                    plsc.store_scatter(tiles.at[t], (hd, rows_g[g]), x)
                    ns.append(sums[k] + x)
                    nq.append(sqs[k] + x * x)
                return (tuple(ns), tuple(nq))

            return hp

        s_lo, q_lo = half_pass1(0)
        s_hi, q_hi = half_pass1(4)
        sums = tuple(s_lo) + tuple(s_hi)
        sqs = tuple(q_lo) + tuple(q_hi)

        avs, cvs = [], []
        for g in range(_GRPS):
            mean = sums[g] * (1.0 / _H)
            var = jnp.maximum(sqs[g] * (1.0 / _H) - mean * mean, 0.0)
            a = _rsqrt_vec(var + _EPS)
            avs.append(a)
            cvs.append(mean * a)

        @plsc.parallel_loop(0, _H, unroll=4)
        def pass2(h):
            gam = _splat(gb_v, 0, h)
            bet = _splat(gb_v, 1, h)
            for g in range(_GRPS):
                x = tiles[t, h, pl.ds(g * _LANES, _LANES)]
                y = (x * avs[g] - cvs[g]) * gam + bet
                tiles[t, h, pl.ds(g * _LANES, _LANES)] = y

        del pass2

        for ht in range(8):
            pltpu.async_copy(tiles.at[t, pl.ds(ht * 8, 8)],
                             out_hbm.at[l, ht, bt], osem.at[t])

        @pl.when(i + 3 < _IPW)
        def _():
            nb = lax.rem(i + 3, _NBUF)
            pltpu.make_async_copy(ids_hbm.at[0, pl.ds(0, 128)], idxr.at[nb],
                                  isem.at[nb]).wait()
            issue_gather(nb)

        @pl.when(i + 4 < _IPW)
        def _():
            issue_idx(m0 + i + 4, lax.rem(i + 4, _NBUF))

        return carry

    lax.fori_loop(0, _IPW, item_body, 0)

    for j in range(_NT):
        t = (_IPW - _NT + j) % _NT
        pltpu.make_async_copy(table_hbm.at[pl.ds(0, 128)], bufs.at[0],
                              osem.at[t]).wait()


@jax.jit
def _sc_call(ids_t, item_table, pos_table, ln_gamma, ln_beta):
    mesh = plsc.VectorSubcoreMesh(
        core_axis_name="c", subcore_axis_name="s",
        num_cores=_NC, num_subcores=_NS)
    fn = pl.kernel(
        _sc_body,
        out_type=jax.ShapeDtypeStruct((_L, _H // 8, _BT, 8, 128),
                                      jnp.float32),
        mesh=mesh,
        compiler_params=pltpu.CompilerParams(
            needs_layout_passes=False, use_tc_tiling_on_sc=False),
        scratch_types=[
            pltpu.VMEM((_L, _H), jnp.float32),
            pltpu.VMEM((2, _H), jnp.float32),
            pltpu.VMEM((_NBUF, 128), jnp.int32),
            pltpu.VMEM((_NBUF, 128, _H), jnp.float32),
            pltpu.VMEM((_NT, _H, 128), jnp.float32),
            pltpu.SemaphoreType.DMA((_NBUF,)),
            pltpu.SemaphoreType.DMA((_NBUF,)),
            pltpu.SemaphoreType.DMA((_NT,)),
        ],
    )
    return fn(ids_t, item_table, pos_table, ln_gamma, ln_beta)


def kernel(input_ids, item_table, pos_table, ln_gamma, ln_beta):
    trout = _tr_call(item_table.T)
    tail = item_table[_NSLAB * _TSLAB:].reshape(_TSLAB // 4, 128)
    trout = lax.dynamic_update_slice(trout, tail, (_NSLAB * _TSLAB // 2, 0))
    table_lin = trout.reshape(1000000, _H)
    out5 = _sc_call(input_ids.T, table_lin, pos_table, ln_gamma, ln_beta)
    return out5.transpose(2, 4, 0, 1, 3).reshape(_B, _L, _H)

# --- scband reference (transcript-rebuilt; emitter-appended) ---
"""Pipeline reference for scband-sequential-rec-model-12275016532460 (READ-ONLY COPY).

The authoritative reference and input builder live on the scoring server;
editing this copy changes nothing except your own understanding.
"""

import jax, jax.numpy as jnp
import numpy as np

ITEM_SIZE = 1000000
HIDDEN = 64
MAX_SEQ = 200
BATCH = 4096

def setup_inputs(seed: int = 0) -> dict:
    key = jax.random.key(seed)
    k1, k2, k3 = jax.random.split(key, 3)
    input_ids = jax.random.randint(k1, (BATCH, MAX_SEQ), 0, ITEM_SIZE, dtype=jnp.int64 if jax.config.read('jax_enable_x64') else jnp.int32).astype(jnp.int32)
    item_table = jax.random.normal(k2, (ITEM_SIZE, HIDDEN), dtype=jnp.float32) * 0.02
    # padding_idx=0: row 0 is zeros
    item_table = item_table.at[0].set(0.0)
    pos_table = jax.random.normal(k3, (MAX_SEQ, HIDDEN), dtype=jnp.float32) * 0.02
    ln_gamma = jnp.ones((HIDDEN,), dtype=jnp.float32)
    ln_beta = jnp.zeros((HIDDEN,), dtype=jnp.float32)
    return {"input_ids": input_ids, "item_table": item_table, "pos_table": pos_table, "ln_gamma": ln_gamma, "ln_beta": ln_beta}

def _layer_norm(x, gamma, beta, eps=1e-12):
    mu = jnp.mean(x, axis=-1, keepdims=True)
    var = jnp.mean(jnp.square(x - mu), axis=-1, keepdims=True)
    return (x - mu) / jnp.sqrt(var + eps) * gamma + beta

def reference(input_ids, item_table, pos_table, ln_gamma, ln_beta):
    # item embedding lookup (gather)
    item_emb = jnp.take(item_table, input_ids, axis=0)  # [B, L, H]
    # position embedding lookup
    seq_length = input_ids.shape[1]
    position_ids = jnp.arange(seq_length, dtype=jnp.int32)
    pos_emb = jnp.take(pos_table, position_ids, axis=0)  # [L, H]
    sequence_emb = item_emb + pos_emb[None, :, :]
    # LayerNorm (dropout is identity at inference)
    sequence_emb = _layer_norm(sequence_emb, ln_gamma, ln_beta)
    return sequence_emb

if __name__ == "__main__":
    import jax
    _d = setup_inputs()
    print(jax.jit(kernel)(*tuple(_d.values())))

</pallas_src>

<mosaic_0001>
#map = affine_map<(d0, d1) -> (0, 0)>
module attributes {stable_mosaic.version = 14 : i64} {
  func.func @_tr_body(%arg0: i32, %arg1: i32, %arg2: memref<64x1000000xf32, #tpu.memory_space<hbm>>, %arg3: memref<500000x128xf32, #tpu.memory_space<hbm>>, %arg4: memref<2x64x128xf32, #tpu.memory_space<vmem>>, %arg5: memref<2x64x128xf32, #tpu.memory_space<vmem>>, %arg6: memref<2x!tpu.dma_semaphore, #tpu.memory_space<semaphore_mem>>, %arg7: memref<2x!tpu.dma_semaphore, #tpu.memory_space<semaphore_mem>>) attributes {dimension_semantics = [#tpu.dimension_semantics<core_parallel>, #tpu.dimension_semantics<subcore_parallel>], iteration_bounds = array<i64: 2, 16>, scalar_prefetch = 0 : i64, scratch_operands = 4 : i64, tpu.core_type = #tpu.core_type<sc_vector_subcore>, window_params = [{transform_indices = #map}, {transform_indices = #map}]} {
    %mul3A = arith.constant 2 : i32
    %mul3A_0 = arith.muli %arg1, %mul3A : i32
    %add3A = arith.addi %mul3A_0, %arg0 : i32
    %iota3A = tpu.iota {dimensions = array<i32: 0>} : vector<16xi32>
    %and3A = arith.constant 1 : i32
    %and3A_1 = vector.broadcast %and3A : i32 to vector<16xi32>
    %and3A_2 = arith.andi %iota3A, %and3A_1 : vector<16xi32>
    %mul3A_3 = arith.constant 64 : i32
    %mul3A_4 = vector.broadcast %mul3A_3 : i32 to vector<16xi32>
    %mul3A_5 = arith.muli %and3A_2, %mul3A_4 : vector<16xi32>
    %add3A_6 = arith.constant 0 : i32
    %add3A_7 = vector.broadcast %add3A_6 : i32 to vector<16xi32>
    %add3A_8 = arith.addi %iota3A, %add3A_7 : vector<16xi32>
    %add3A_9 = arith.constant 16 : i32
    %add3A_10 = vector.broadcast %add3A_9 : i32 to vector<16xi32>
    %add3A_11 = arith.addi %iota3A, %add3A_10 : vector<16xi32>
    %add3A_12 = arith.constant 32 : i32
    %add3A_13 = vector.broadcast %add3A_12 : i32 to vector<16xi32>
    %add3A_14 = arith.addi %iota3A, %add3A_13 : vector<16xi32>
    %add3A_15 = arith.constant 48 : i32
    %add3A_16 = vector.broadcast %add3A_15 : i32 to vector<16xi32>
    %add3A_17 = arith.addi %iota3A, %add3A_16 : vector<16xi32>
    %add3A_18 = arith.constant 64 : i32
    %add3A_19 = vector.broadcast %add3A_18 : i32 to vector<16xi32>
    %add3A_20 = arith.addi %iota3A, %add3A_19 : vector<16xi32>
    %add3A_21 = arith.constant 80 : i32
    %add3A_22 = vector.broadcast %add3A_21 : i32 to vector<16xi32>
    %add3A_23 = arith.addi %iota3A, %add3A_22 : vector<16xi32>
    %add3A_24 = arith.constant 96 : i32
    %add3A_25 = vector.broadcast %add3A_24 : i32 to vector<16xi32>
    %add3A_26 = arith.addi %iota3A, %add3A_25 : vector<16xi32>
    %add3A_27 = arith.constant 112 : i32
    %add3A_28 = vector.broadcast %add3A_27 : i32 to vector<16xi32>
    %add3A_29 = arith.addi %iota3A, %add3A_28 : vector<16xi32>
    %shift_right_logical3A = arith.constant 1 : i32
    %shift_right_logical3A_30 = vector.broadcast %shift_right_logical3A : i32 to vector<16xi32>
    %shift_right_logical3A_31 = arith.shrui %add3A_8, %shift_right_logical3A_30 : vector<16xi32>
    %shift_right_logical3A_32 = arith.constant 1 : i32
    %shift_right_logical3A_33 = vector.broadcast %shift_right_logical3A_32 : i32 to vector<16xi32>
    %shift_right_logical3A_34 = arith.shrui %add3A_11, %shift_right_logical3A_33 : vector<16xi32>
    %shift_right_logical3A_35 = arith.constant 1 : i32
    %shift_right_logical3A_36 = vector.broadcast %shift_right_logical3A_35 : i32 to vector<16xi32>
    %shift_right_logical3A_37 = arith.shrui %add3A_14, %shift_right_logical3A_36 : vector<16xi32>
    %shift_right_logical3A_38 = arith.constant 1 : i32
    %shift_right_logical3A_39 = vector.broadcast %shift_right_logical3A_38 : i32 to vector<16xi32>
    %shift_right_logical3A_40 = arith.shrui %add3A_17, %shift_right_logical3A_39 : vector<16xi32>
    %shift_right_logical3A_41 = arith.constant 1 : i32
    %shift_right_logical3A_42 = vector.broadcast %shift_right_logical3A_41 : i32 to vector<16xi32>
    %shift_right_logical3A_43 = arith.shrui %add3A_20, %shift_right_logical3A_42 : vector<16xi32>
    %shift_right_logical3A_44 = arith.constant 1 : i32
    %shift_right_logical3A_45 = vector.broadcast %shift_right_logical3A_44 : i32 to vector<16xi32>
    %shift_right_logical3A_46 = arith.shrui %add3A_23, %shift_right_logical3A_45 : vector<16xi32>
    %shift_right_logical3A_47 = arith.constant 1 : i32
    %shift_right_logical3A_48 = vector.broadcast %shift_right_logical3A_47 : i32 to vector<16xi32>
    %shift_right_logical3A_49 = arith.shrui %add3A_26, %shift_right_logical3A_48 : vector<16xi32>
    %shift_right_logical3A_50 = arith.constant 1 : i32
    %shift_right_logical3A_51 = vector.broadcast %shift_right_logical3A_50 : i32 to vector<16xi32>
    %shift_right_logical3A_52 = arith.shrui %add3A_29, %shift_right_logical3A_51 : vector<16xi32>
    %sub3A = arith.constant 7811 : i32
    %sub3A_53 = arith.subi %sub3A, %add3A : i32
    %div3A = arith.constant 32 : i32
    %div3A_54 = arith.divsi %sub3A_53, %div3A : i32
    %add3A_55 = arith.constant 1 : i32
    %add3A_56 = arith.addi %div3A_54, %add3A_55 : i32
    %gt3A = arith.constant 0 : i32
    %gt3A_57 = arith.cmpi sgt, %add3A_56, %gt3A : i32
    %convert_element_type3A = arith.extui %gt3A_57 : i1 to i32
    %cond3A = arith.constant 0 : i32
    %cond3A_58 = arith.cmpi ne, %convert_element_type3A, %cond3A : i32
    scf.if %cond3A_58 {
      %add3A_90 = arith.constant 0 : i32
      %add3A_91 = arith.addi %add3A, %add3A_90 : i32
      %mul3A_92 = arith.constant 128 : i32
      %mul3A_93 = arith.muli %add3A_91, %mul3A_92 : i32
      %dma_start3A = arith.constant 0 : i32
      %dma_start3A_94 = arith.constant 0 : i32
      %dma_start3A_95 = arith.constant 0 : i32
      %dma_start3A_96 = arith.constant 0 : i32
      %dma_start3A_97 = tpu.memref_slice %arg4[%dma_start3A, %dma_start3A_95, %dma_start3A_96] : memref<2x64x128xf32, #tpu.memory_space<vmem>> -> memref<1x64x128xf32, #tpu.memory_space<vmem>>
      %dma_start3A_98 = tpu.memref_squeeze %dma_start3A_97 : memref<1x64x128xf32, #tpu.memory_space<vmem>> -> memref<64x128xf32, #tpu.memory_space<vmem>>
      %dma_start3A_99 = arith.constant 0 : i32
      %dma_start3A_100 = tpu.memref_slice %arg2[%dma_start3A_99, %mul3A_93] : memref<64x1000000xf32, #tpu.memory_space<hbm>> -> memref<64x128xf32, #tpu.memory_space<hbm>>
      %dma_start3A_101 = tpu.memref_slice %arg6[%dma_start3A_94] : memref<2x!tpu.dma_semaphore, #tpu.memory_space<semaphore_mem>> -> memref<1x!tpu.dma_semaphore, #tpu.memory_space<semaphore_mem>>
      %dma_start3A_102 = tpu.memref_squeeze %dma_start3A_101 : memref<1x!tpu.dma_semaphore, #tpu.memory_space<semaphore_mem>> -> memref<!tpu.dma_semaphore, #tpu.memory_space<semaphore_mem>>
      %dma_start3A_103 = arith.constant 0 : i32
      %dma_start3A_104 = arith.constant 0 : i32
      %dma_start3A_105 = tpu.memref_slice %arg4[%dma_start3A, %dma_start3A_103, %dma_start3A_104] : memref<2x64x128xf32, #tpu.memory_space<vmem>> -> memref<1x64x128xf32, #tpu.memory_space<vmem>>
      %dma_start3A_106 = tpu.memref_squeeze %dma_start3A_105 : memref<1x64x128xf32, #tpu.memory_space<vmem>> -> memref<64x128xf32, #tpu.memory_space<vmem>>
      %dma_start3A_107 = arith.constant 0 : i32
      %dma_start3A_108 = tpu.memref_slice %arg2[%dma_start3A_107, %mul3A_93] : memref<64x1000000xf32, #tpu.memory_space<hbm>> -> memref<64x128xf32, #tpu.memory_space<hbm>>
      tpu.enqueue_dma source(%dma_start3A_108 : memref<64x128xf32, #tpu.memory_space<hbm>>) target(%dma_start3A_106 : memref<64x128xf32, #tpu.memory_space<vmem>>) target_semaphore(%dma_start3A_102 : memref<!tpu.dma_semaphore, #tpu.memory_space<semaphore_mem>>)
    } else {
    }
    %gt3A_59 = arith.constant 1 : i32
    %gt3A_60 = arith.cmpi sgt, %add3A_56, %gt3A_59 : i32
    %convert_element_type3A_61 = arith.extui %gt3A_60 : i1 to i32
    %cond3A_62 = arith.constant 0 : i32
    %cond3A_63 = arith.cmpi ne, %convert_element_type3A_61, %cond3A_62 : i32
    scf.if %cond3A_63 {
      %add3A_90 = arith.constant 32 : i32
      %add3A_91 = arith.addi %add3A, %add3A_90 : i32
      %mul3A_92 = arith.constant 128 : i32
      %mul3A_93 = arith.muli %add3A_91, %mul3A_92 : i32
      %dma_start3A = arith.constant 1 : i32
      %dma_start3A_94 = arith.constant 1 : i32
      %dma_start3A_95 = arith.constant 0 : i32
      %dma_start3A_96 = arith.constant 0 : i32
      %dma_start3A_97 = tpu.memref_slice %arg4[%dma_start3A, %dma_start3A_95, %dma_start3A_96] : memref<2x64x128xf32, #tpu.memory_space<vmem>> -> memref<1x64x128xf32, #tpu.memory_space<vmem>>
      %dma_start3A_98 = tpu.memref_squeeze %dma_start3A_97 : memref<1x64x128xf32, #tpu.memory_space<vmem>> -> memref<64x128xf32, #tpu.memory_space<vmem>>
      %dma_start3A_99 = arith.constant 0 : i32
      %dma_start3A_100 = tpu.memref_slice %arg2[%dma_start3A_99, %mul3A_93] : memref<64x1000000xf32, #tpu.memory_space<hbm>> -> memref<64x128xf32, #tpu.memory_space<hbm>>
      %dma_start3A_101 = tpu.memref_slice %arg6[%dma_start3A_94] : memref<2x!tpu.dma_semaphore, #tpu.memory_space<semaphore_mem>> -> memref<1x!tpu.dma_semaphore, #tpu.memory_space<semaphore_mem>>
      %dma_start3A_102 = tpu.memref_squeeze %dma_start3A_101 : memref<1x!tpu.dma_semaphore, #tpu.memory_space<semaphore_mem>> -> memref<!tpu.dma_semaphore, #tpu.memory_space<semaphore_mem>>
      %dma_start3A_103 = arith.constant 0 : i32
      %dma_start3A_104 = arith.constant 0 : i32
      %dma_start3A_105 = tpu.memref_slice %arg4[%dma_start3A, %dma_start3A_103, %dma_start3A_104] : memref<2x64x128xf32, #tpu.memory_space<vmem>> -> memref<1x64x128xf32, #tpu.memory_space<vmem>>
      %dma_start3A_106 = tpu.memref_squeeze %dma_start3A_105 : memref<1x64x128xf32, #tpu.memory_space<vmem>> -> memref<64x128xf32, #tpu.memory_space<vmem>>
      %dma_start3A_107 = arith.constant 0 : i32
      %dma_start3A_108 = tpu.memref_slice %arg2[%dma_start3A_107, %mul3A_93] : memref<64x1000000xf32, #tpu.memory_space<hbm>> -> memref<64x128xf32, #tpu.memory_space<hbm>>
      tpu.enqueue_dma source(%dma_start3A_108 : memref<64x128xf32, #tpu.memory_space<hbm>>) target(%dma_start3A_106 : memref<64x128xf32, #tpu.memory_space<vmem>>) target_semaphore(%dma_start3A_102 : memref<!tpu.dma_semaphore, #tpu.memory_space<semaphore_mem>>)
    } else {
    }
    %while3A = arith.constant 0 : i32
    %while3A_64 = arith.constant 0 : i32
    %while3A_65 = arith.subi %add3A_56, %while3A_64 : i32
    %while3A_66 = arith.addi %while3A_64, %while3A_65 : i32
    %while3A_67 = arith.constant 1 : i32
    %while3A_68 = arith.divsi %while3A_65, %while3A_67 : i32
    %while3A_69 = arith.muli %while3A_68, %while3A_67 : i32
    %while3A_70 = arith.addi %while3A_64, %while3A_69 : i32
    %while3A_71 = arith.constant 1 : i32
    scf.for %while3A_90 = %while3A_64 to %while3A_70 step %while3A_71  : i32 {
      %mul3A_91 = arith.constant 32 : i32
      %mul3A_92 = arith.muli %while3A_90, %mul3A_91 : i32
      %add3A_93 = arith.addi %add3A, %mul3A_92 : i32
      %rem3A = arith.constant 2 : i32
      %rem3A_94 = arith.remsi %while3A_90, %rem3A : i32
      %mul3A_95 = arith.constant 32 : i32
      %mul3A_96 = arith.muli %while3A_90, %mul3A_95 : i32
      %add3A_97 = arith.addi %add3A, %mul3A_96 : i32
      %mul3A_98 = arith.constant 128 : i32
      %mul3A_99 = arith.muli %add3A_97, %mul3A_98 : i32
      %dma_wait3A = arith.constant 0 : i32
      %dma_wait3A_100 = arith.constant 0 : i32
      %dma_wait3A_101 = tpu.memref_slice %arg4[%rem3A_94, %dma_wait3A, %dma_wait3A_100] : memref<2x64x128xf32, #tpu.memory_space<vmem>> -> memref<1x64x128xf32, #tpu.memory_space<vmem>>
      %dma_wait3A_102 = tpu.memref_squeeze %dma_wait3A_101 : memref<1x64x128xf32, #tpu.memory_space<vmem>> -> memref<64x128xf32, #tpu.memory_space<vmem>>
      %dma_wait3A_103 = arith.constant 0 : i32
      %dma_wait3A_104 = tpu.memref_slice %arg2[%dma_wait3A_103, %mul3A_99] : memref<64x1000000xf32, #tpu.memory_space<hbm>> -> memref<64x128xf32, #tpu.memory_space<hbm>>
      %dma_wait3A_105 = tpu.memref_slice %arg6[%rem3A_94] : memref<2x!tpu.dma_semaphore, #tpu.memory_space<semaphore_mem>> -> memref<1x!tpu.dma_semaphore, #tpu.memory_space<semaphore_mem>>
      %dma_wait3A_106 = tpu.memref_squeeze %dma_wait3A_105 : memref<1x!tpu.dma_semaphore, #tpu.memory_space<semaphore_mem>> -> memref<!tpu.dma_semaphore, #tpu.memory_space<semaphore_mem>>
      %dma_wait3A_107 = arith.constant 0 : i32
      %dma_wait3A_108 = arith.constant 0 : i32
      %dma_wait3A_109 = tpu.memref_slice %arg4[%rem3A_94, %dma_wait3A_107, %dma_wait3A_108] : memref<2x64x128xf32, #tpu.memory_space<vmem>> -> memref<1x64x128xf32, #tpu.memory_space<vmem>>
      %dma_wait3A_110 = tpu.memref_squeeze %dma_wait3A_109 : memref<1x64x128xf32, #tpu.memory_space<vmem>> -> memref<64x128xf32, #tpu.memory_space<vmem>>
      %dma_wait3A_111 = arith.constant 0 : i32
      %dma_wait3A_112 = tpu.memref_slice %arg2[%dma_wait3A_111, %mul3A_99] : memref<64x1000000xf32, #tpu.memory_space<hbm>> -> memref<64x128xf32, #tpu.memory_space<hbm>>
      tpu.wait_dma2 semaphore(%dma_wait3A_106 : memref<!tpu.dma_semaphore, #tpu.memory_space<semaphore_mem>>) src(%dma_wait3A_112 : memref<64x128xf32, #tpu.memory_space<hbm>>) dst(%dma_wait3A_110 : memref<64x128xf32, #tpu.memory_space<vmem>>)
      %ge3A_113 = arith.constant 2 : i32
      %ge3A_114 = arith.cmpi sge, %while3A_90, %ge3A_113 : i32
      %convert_element_type3A_115 = arith.extui %ge3A_114 : i1 to i32
      %cond3A_116 = arith.constant 0 : i32
      %cond3A_117 = arith.cmpi ne, %convert_element_type3A_115, %cond3A_116 : i32
      scf.if %cond3A_117 {
        %sub3A_140 = arith.constant 2 : i32
        %sub3A_141 = arith.subi %while3A_90, %sub3A_140 : i32
        %mul3A_142 = arith.constant 32 : i32
        %mul3A_143 = arith.muli %sub3A_141, %mul3A_142 : i32
        %add3A_144 = arith.addi %add3A, %mul3A_143 : i32
        %mul3A_145 = arith.constant 64 : i32
        %mul3A_146 = arith.muli %add3A_144, %mul3A_145 : i32
        %dma_wait3A_147 = arith.constant 0 : i32
        %dma_wait3A_148 = arith.constant 0 : i32
        %dma_wait3A_149 = tpu.memref_slice %arg5[%rem3A_94, %dma_wait3A_147, %dma_wait3A_148] : memref<2x64x128xf32, #tpu.memory_space<vmem>> -> memref<1x64x128xf32, #tpu.memory_space<vmem>>
        %dma_wait3A_150 = tpu.memref_squeeze %dma_wait3A_149 : memref<1x64x128xf32, #tpu.memory_space<vmem>> -> memref<64x128xf32, #tpu.memory_space<vmem>>
        %dma_wait3A_151 = arith.constant 0 : i32
        %dma_wait3A_152 = tpu.memref_slice %arg3[%mul3A_146, %dma_wait3A_151] : memref<500000x128xf32, #tpu.memory_space<hbm>> -> memref<64x128xf32, #tpu.memory_space<hbm>>
        %dma_wait3A_153 = tpu.memref_slice %arg7[%rem3A_94] : memref<2x!tpu.dma_semaphore, #tpu.memory_space<semaphore_mem>> -> memref<1x!tpu.dma_semaphore, #tpu.memory_space<semaphore_mem>>
        %dma_wait3A_154 = tpu.memref_squeeze %dma_wait3A_153 : memref<1x!tpu.dma_semaphore, #tpu.memory_space<semaphore_mem>> -> memref<!tpu.dma_semaphore, #tpu.memory_space<semaphore_mem>>
        %dma_wait3A_155 = arith.constant 0 : i32
        %dma_wait3A_156 = tpu.memref_slice %arg3[%mul3A_146, %dma_wait3A_155] : memref<500000x128xf32, #tpu.memory_space<hbm>> -> memref<64x128xf32, #tpu.memory_space<hbm>>
        %dma_wait3A_157 = arith.constant 0 : i32
        %dma_wait3A_158 = arith.constant 0 : i32
        %dma_wait3A_159 = tpu.memref_slice %arg5[%rem3A_94, %dma_wait3A_157, %dma_wait3A_158] : memref<2x64x128xf32, #tpu.memory_space<vmem>> -> memref<1x64x128xf32, #tpu.memory_space<vmem>>
        %dma_wait3A_160 = tpu.memref_squeeze %dma_wait3A_159 : memref<1x64x128xf32, #tpu.memory_space<vmem>> -> memref<64x128xf32, #tpu.memory_space<vmem>>
        tpu.wait_dma2 semaphore(%dma_wait3A_154 : memref<!tpu.dma_semaphore, #tpu.memory_space<semaphore_mem>>) src(%dma_wait3A_160 : memref<64x128xf32, #tpu.memory_space<vmem>>) dst(%dma_wait3A_156 : memref<64x128xf32, #tpu.memory_space<hbm>>)
      } else {
      }
      %parallel_loop3A = arith.constant 0 : i32
      %parallel_loop3A_118 = arith.constant 64 : i32
      %parallel_loop3A_119 = arith.constant 1 : i32
      scf.for %parallel_loop3A_140 = %parallel_loop3A to %parallel_loop3A_118 step %parallel_loop3A_119  : i32 {
        %parallel_loop3A_141 = vector.broadcast %parallel_loop3A_140 : i32 to vector<16xi32>
        %parallel_loop3A_142 = arith.addi %parallel_loop3A_141, %iota3A : vector<16xi32>
        %parallel_loop3A_143 = arith.constant 64 : i32
        %parallel_loop3A_144 = vector.broadcast %parallel_loop3A_143 : i32 to vector<16xi32>
        %parallel_loop3A_145 = arith.cmpi sge, %parallel_loop3A_142, %parallel_loop3A_144 : vector<16xi32>
        %parallel_loop3A_146 = arith.constant 64 : i32
        %parallel_loop3A_147 = vector.broadcast %parallel_loop3A_146 : i32 to vector<16xi32>
        %parallel_loop3A_148 = arith.subi %parallel_loop3A_142, %parallel_loop3A_147 : vector<16xi32>
        %parallel_loop3A_149 = arith.select %parallel_loop3A_145, %parallel_loop3A_148, %parallel_loop3A_142 : vector<16xi1>, vector<16xi32>
        %parallel_loop3A_150 = arith.addi %parallel_loop3A_149, %mul3A_5 : vector<16xi32>
        %parallel_loop3A_151 = arith.constant 0 : i32
        %parallel_loop3A_152 = arith.constant 0 : i32
        %parallel_loop3A_153 = tpu.memref_slice %arg4[%rem3A_94, %parallel_loop3A_151, %parallel_loop3A_152] : memref<2x64x128xf32, #tpu.memory_space<vmem>> -> memref<1x64x128xf32, #tpu.memory_space<vmem>>
        %parallel_loop3A_154 = tpu.memref_squeeze %parallel_loop3A_153 : memref<1x64x128xf32, #tpu.memory_space<vmem>> -> memref<64x128xf32, #tpu.memory_space<vmem>>
        %parallel_loop3A_155 = tpu.vector_load_idx %parallel_loop3A_154[%parallel_loop3A_149, %add3A_8] : memref<64x128xf32, #tpu.memory_space<vmem>>[vector<16xi32>, vector<16xi32>], vector<16xf32>,
        %parallel_loop3A_156 = arith.constant 0 : i32
        %parallel_loop3A_157 = arith.constant 0 : i32
        %parallel_loop3A_158 = tpu.memref_slice %arg5[%rem3A_94, %parallel_loop3A_156, %parallel_loop3A_157] : memref<2x64x128xf32, #tpu.memory_space<vmem>> -> memref<1x64x128xf32, #tpu.memory_space<vmem>>
        %parallel_loop3A_159 = tpu.memref_squeeze %parallel_loop3A_158 : memref<1x64x128xf32, #tpu.memory_space<vmem>> -> memref<64x128xf32, #tpu.memory_space<vmem>>
        tpu.vector_store_idx %parallel_loop3A_159[%shift_right_logical3A_31, %parallel_loop3A_150], %parallel_loop3A_155 : memref<64x128xf32, #tpu.memory_space<vmem>>[vector<16xi32>, vector<16xi32>], vector<16xf32>,
        %parallel_loop3A_160 = arith.constant 0 : i32
        %parallel_loop3A_161 = arith.constant 0 : i32
        %parallel_loop3A_162 = tpu.memref_slice %arg4[%rem3A_94, %parallel_loop3A_160, %parallel_loop3A_161] : memref<2x64x128xf32, #tpu.memory_space<vmem>> -> memref<1x64x128xf32, #tpu.memory_space<vmem>>
        %parallel_loop3A_163 = tpu.memref_squeeze %parallel_loop3A_162 : memref<1x64x128xf32, #tpu.memory_space<vmem>> -> memref<64x128xf32, #tpu.memory_space<vmem>>
        %parallel_loop3A_164 = tpu.vector_load_idx %parallel_loop3A_163[%parallel_loop3A_149, %add3A_11] : memref<64x128xf32, #tpu.memory_space<vmem>>[vector<16xi32>, vector<16xi32>], vector<16xf32>,
        %parallel_loop3A_165 = arith.constant 0 : i32
        %parallel_loop3A_166 = arith.constant 0 : i32
        %parallel_loop3A_167 = tpu.memref_slice %arg5[%rem3A_94, %parallel_loop3A_165, %parallel_loop3A_166] : memref<2x64x128xf32, #tpu.memory_space<vmem>> -> memref<1x64x128xf32, #tpu.memory_space<vmem>>
        %parallel_loop3A_168 = tpu.memref_squeeze %parallel_loop3A_167 : memref<1x64x128xf32, #tpu.memory_space<vmem>> -> memref<64x128xf32, #tpu.memory_space<vmem>>
        tpu.vector_store_idx %parallel_loop3A_168[%shift_right_logical3A_34, %parallel_loop3A_150], %parallel_loop3A_164 : memref<64x128xf32, #tpu.memory_space<vmem>>[vector<16xi32>, vector<16xi32>], vector<16xf32>,
        %parallel_loop3A_169 = arith.constant 0 : i32
        %parallel_loop3A_170 = arith.constant 0 : i32
        %parallel_loop3A_171 = tpu.memref_slice %arg4[%rem3A_94, %parallel_loop3A_169, %parallel_loop3A_170] : memref<2x64x128xf32, #tpu.memory_space<vmem>> -> memref<1x64x128xf32, #tpu.memory_space<vmem>>
        %parallel_loop3A_172 = tpu.memref_squeeze %parallel_loop3A_171 : memref<1x64x128xf32, #tpu.memory_space<vmem>> -> memref<64x128xf32, #tpu.memory_space<vmem>>
        %parallel_loop3A_173 = tpu.vector_load_idx %parallel_loop3A_172[%parallel_loop3A_149, %add3A_14] : memref<64x128xf32, #tpu.memory_space<vmem>>[vector<16xi32>, vector<16xi32>], vector<16xf32>,
        %parallel_loop3A_174 = arith.constant 0 : i32
        %parallel_loop3A_175 = arith.constant 0 : i32
        %parallel_loop3A_176 = tpu.memref_slice %arg5[%rem3A_94, %parallel_loop3A_174, %parallel_loop3A_175] : memref<2x64x128xf32, #tpu.memory_space<vmem>> -> memref<1x64x128xf32, #tpu.memory_space<vmem>>
        %parallel_loop3A_177 = tpu.memref_squeeze %parallel_loop3A_176 : memref<1x64x128xf32, #tpu.memory_space<vmem>> -> memref<64x128xf32, #tpu.memory_space<vmem>>
        tpu.vector_store_idx %parallel_loop3A_177[%shift_right_logical3A_37, %parallel_loop3A_150], %parallel_loop3A_173 : memref<64x128xf32, #tpu.memory_space<vmem>>[vector<16xi32>, vector<16xi32>], vector<16xf32>,
        %parallel_loop3A_178 = arith.constant 0 : i32
        %parallel_loop3A_179 = arith.constant 0 : i32
        %parallel_loop3A_180 = tpu.memref_slice %arg4[%rem3A_94, %parallel_loop3A_178, %parallel_loop3A_179] : memref<2x64x128xf32, #tpu.memory_space<vmem>> -> memref<1x64x128xf32, #tpu.memory_space<vmem>>
        %parallel_loop3A_181 = tpu.memref_squeeze %parallel_loop3A_180 : memref<1x64x128xf32, #tpu.memory_space<vmem>> -> memref<64x128xf32, #tpu.memory_space<vmem>>
        %parallel_loop3A_182 = tpu.vector_load_idx %parallel_loop3A_181[%parallel_loop3A_149, %add3A_17] : memref<64x128xf32, #tpu.memory_space<vmem>>[vector<16xi32>, vector<16xi32>], vector<16xf32>,
        %parallel_loop3A_183 = arith.constant 0 : i32
        %parallel_loop3A_184 = arith.constant 0 : i32
        %parallel_loop3A_185 = tpu.memref_slice %arg5[%rem3A_94, %parallel_loop3A_183, %parallel_loop3A_184] : memref<2x64x128xf32, #tpu.memory_space<vmem>> -> memref<1x64x128xf32, #tpu.memory_space<vmem>>
        %parallel_loop3A_186 = tpu.memref_squeeze %parallel_loop3A_185 : memref<1x64x128xf32, #tpu.memory_space<vmem>> -> memref<64x128xf32, #tpu.memory_space<vmem>>
        tpu.vector_store_idx %parallel_loop3A_186[%shift_right_logical3A_40, %parallel_loop3A_150], %parallel_loop3A_182 : memref<64x128xf32, #tpu.memory_space<vmem>>[vector<16xi32>, vector<16xi32>], vector<16xf32>,
        %parallel_loop3A_187 = arith.constant 0 : i32
        %parallel_loop3A_188 = arith.constant 0 : i32
        %parallel_loop3A_189 = tpu.memref_slice %arg4[%rem3A_94, %parallel_loop3A_187, %parallel_loop3A_188] : memref<2x64x128xf32, #tpu.memory_space<vmem>> -> memref<1x64x128xf32, #tpu.memory_space<vmem>>
        %parallel_loop3A_190 = tpu.memref_squeeze %parallel_loop3A_189 : memref<1x64x128xf32, #tpu.memory_space<vmem>> -> memref<64x128xf32, #tpu.memory_space<vmem>>
        %parallel_loop3A_191 = tpu.vector_load_idx %parallel_loop3A_190[%parallel_loop3A_149, %add3A_20] : memref<64x128xf32, #tpu.memory_space<vmem>>[vector<16xi32>, vector<16xi32>], vector<16xf32>,
        %parallel_loop3A_192 = arith.constant 0 : i32
        %parallel_loop3A_193 = arith.constant 0 : i32
        %parallel_loop3A_194 = tpu.memref_slice %arg5[%rem3A_94, %parallel_loop3A_192, %parallel_loop3A_193] : memref<2x64x128xf32, #tpu.memory_space<vmem>> -> memref<1x64x128xf32, #tpu.memory_space<vmem>>
        %parallel_loop3A_195 = tpu.memref_squeeze %parallel_loop3A_194 : memref<1x64x128xf32, #tpu.memory_space<vmem>> -> memref<64x128xf32, #tpu.memory_space<vmem>>
        tpu.vector_store_idx %parallel_loop3A_195[%shift_right_logical3A_43, %parallel_loop3A_150], %parallel_loop3A_191 : memref<64x128xf32, #tpu.memory_space<vmem>>[vector<16xi32>, vector<16xi32>], vector<16xf32>,
        %parallel_loop3A_196 = arith.constant 0 : i32
        %parallel_loop3A_197 = arith.constant 0 : i32
        %parallel_loop3A_198 = tpu.memref_slice %arg4[%rem3A_94, %parallel_loop3A_196, %parallel_loop3A_197] : memref<2x64x128xf32, #tpu.memory_space<vmem>> -> memref<1x64x128xf32, #tpu.memory_space<vmem>>
        %parallel_loop3A_199 = tpu.memref_squeeze %parallel_loop3A_198 : memref<1x64x128xf32, #tpu.memory_space<vmem>> -> memref<64x128xf32, #tpu.memory_space<vmem>>
        %parallel_loop3A_200 = tpu.vector_load_idx %parallel_loop3A_199[%parallel_loop3A_149, %add3A_23] : memref<64x128xf32, #tpu.memory_space<vmem>>[vector<16xi32>, vector<16xi32>], vector<16xf32>,
        %parallel_loop3A_201 = arith.constant 0 : i32
        %parallel_loop3A_202 = arith.constant 0 : i32
        %parallel_loop3A_203 = tpu.memref_slice %arg5[%rem3A_94, %parallel_loop3A_201, %parallel_loop3A_202] : memref<2x64x128xf32, #tpu.memory_space<vmem>> -> memref<1x64x128xf32, #tpu.memory_space<vmem>>
        %parallel_loop3A_204 = tpu.memref_squeeze %parallel_loop3A_203 : memref<1x64x128xf32, #tpu.memory_space<vmem>> -> memref<64x128xf32, #tpu.memory_space<vmem>>
        tpu.vector_store_idx %parallel_loop3A_204[%shift_right_logical3A_46, %parallel_loop3A_150], %parallel_loop3A_200 : memref<64x128xf32, #tpu.memory_space<vmem>>[vector<16xi32>, vector<16xi32>], vector<16xf32>,
        %parallel_loop3A_205 = arith.constant 0 : i32
        %parallel_loop3A_206 = arith.constant 0 : i32
        %parallel_loop3A_207 = tpu.memref_slice %arg4[%rem3A_94, %parallel_loop3A_205, %parallel_loop3A_206] : memref<2x64x128xf32, #tpu.memory_space<vmem>> -> memref<1x64x128xf32, #tpu.memory_space<vmem>>
        %parallel_loop3A_208 = tpu.memref_squeeze %parallel_loop3A_207 : memref<1x64x128xf32, #tpu.memory_space<vmem>> -> memref<64x128xf32, #tpu.memory_space<vmem>>
        %parallel_loop3A_209 = tpu.vector_load_idx %parallel_loop3A_208[%parallel_loop3A_149, %add3A_26] : memref<64x128xf32, #tpu.memory_space<vmem>>[vector<16xi32>, vector<16xi32>], vector<16xf32>,
        %parallel_loop3A_210 = arith.constant 0 : i32
        %parallel_loop3A_211 = arith.constant 0 : i32
        %parallel_loop3A_212 = tpu.memref_slice %arg5[%rem3A_94, %parallel_loop3A_210, %parallel_loop3A_211] : memref<2x64x128xf32, #tpu.memory_space<vmem>> -> memref<1x64x128xf32, #tpu.memory_space<vmem>>
        %parallel_loop3A_213 = tpu.memref_squeeze %parallel_loop3A_212 : memref<1x64x128xf32, #tpu.memory_space<vmem>> -> memref<64x128xf32, #tpu.memory_space<vmem>>
        tpu.vector_store_idx %parallel_loop3A_213[%shift_right_logical3A_49, %parallel_loop3A_150], %parallel_loop3A_209 : memref<64x128xf32, #tpu.memory_space<vmem>>[vector<16xi32>, vector<16xi32>], vector<16xf32>,
        %parallel_loop3A_214 = arith.constant 0 : i32
        %parallel_loop3A_215 = arith.constant 0 : i32
        %parallel_loop3A_216 = tpu.memref_slice %arg4[%rem3A_94, %parallel_loop3A_214, %parallel_loop3A_215] : memref<2x64x128xf32, #tpu.memory_space<vmem>> -> memref<1x64x128xf32, #tpu.memory_space<vmem>>
        %parallel_loop3A_217 = tpu.memref_squeeze %parallel_loop3A_216 : memref<1x64x128xf32, #tpu.memory_space<vmem>> -> memref<64x128xf32, #tpu.memory_space<vmem>>
        %parallel_loop3A_218 = tpu.vector_load_idx %parallel_loop3A_217[%parallel_loop3A_149, %add3A_29] : memref<64x128xf32, #tpu.memory_space<vmem>>[vector<16xi32>, vector<16xi32>], vector<16xf32>,
        %parallel_loop3A_219 = arith.constant 0 : i32
        %parallel_loop3A_220 = arith.constant 0 : i32
        %parallel_loop3A_221 = tpu.memref_slice %arg5[%rem3A_94, %parallel_loop3A_219, %parallel_loop3A_220] : memref<2x64x128xf32, #tpu.memory_space<vmem>> -> memref<1x64x128xf32, #tpu.memory_space<vmem>>
        %parallel_loop3A_222 = tpu.memref_squeeze %parallel_loop3A_221 : memref<1x64x128xf32, #tpu.memory_space<vmem>> -> memref<64x128xf32, #tpu.memory_space<vmem>>
        tpu.vector_store_idx %parallel_loop3A_222[%shift_right_logical3A_52, %parallel_loop3A_150], %parallel_loop3A_218 : memref<64x128xf32, #tpu.memory_space<vmem>>[vector<16xi32>, vector<16xi32>], vector<16xf32>,
      } {sc.loop_unroll_factor = 4 : i64, sc.parallel_access}
      %mul3A_120 = arith.constant 64 : i32
      %mul3A_121 = arith.muli %add3A_93, %mul3A_120 : i32
      %dma_start3A = arith.constant 0 : i32
      %dma_start3A_122 = arith.constant 0 : i32
      %dma_start3A_123 = tpu.memref_slice %arg5[%rem3A_94, %dma_start3A, %dma_start3A_122] : memref<2x64x128xf32, #tpu.memory_space<vmem>> -> memref<1x64x128xf32, #tpu.memory_space<vmem>>
      %dma_start3A_124 = tpu.memref_squeeze %dma_start3A_123 : memref<1x64x128xf32, #tpu.memory_space<vmem>> -> memref<64x128xf32, #tpu.memory_space<vmem>>
      %dma_start3A_125 = arith.constant 0 : i32
      %dma_start3A_126 = tpu.memref_slice %arg3[%mul3A_121, %dma_start3A_125] : memref<500000x128xf32, #tpu.memory_space<hbm>> -> memref<64x128xf32, #tpu.memory_space<hbm>>
      %dma_start3A_127 = tpu.memref_slice %arg7[%rem3A_94] : memref<2x!tpu.dma_semaphore, #tpu.memory_space<semaphore_mem>> -> memref<1x!tpu.dma_semaphore, #tpu.memory_space<semaphore_mem>>
      %dma_start3A_128 = tpu.memref_squeeze %dma_start3A_127 : memref<1x!tpu.dma_semaphore, #tpu.memory_space<semaphore_mem>> -> memref<!tpu.dma_semaphore, #tpu.memory_space<semaphore_mem>>
      %dma_start3A_129 = arith.constant 0 : i32
      %dma_start3A_130 = tpu.memref_slice %arg3[%mul3A_121, %dma_start3A_129] : memref<500000x128xf32, #tpu.memory_space<hbm>> -> memref<64x128xf32, #tpu.memory_space<hbm>>
      %dma_start3A_131 = arith.constant 0 : i32
      %dma_start3A_132 = arith.constant 0 : i32
      %dma_start3A_133 = tpu.memref_slice %arg5[%rem3A_94, %dma_start3A_131, %dma_start3A_132] : memref<2x64x128xf32, #tpu.memory_space<vmem>> -> memref<1x64x128xf32, #tpu.memory_space<vmem>>
      %dma_start3A_134 = tpu.memref_squeeze %dma_start3A_133 : memref<1x64x128xf32, #tpu.memory_space<vmem>> -> memref<64x128xf32, #tpu.memory_space<vmem>>
      tpu.enqueue_dma source(%dma_start3A_134 : memref<64x128xf32, #tpu.memory_space<vmem>>) target(%dma_start3A_130 : memref<64x128xf32, #tpu.memory_space<hbm>>) target_semaphore(%dma_start3A_128 : memref<!tpu.dma_semaphore, #tpu.memory_space<semaphore_mem>>)
      %add3A_135 = arith.constant 2 : i32
      %add3A_136 = arith.addi %while3A_90, %add3A_135 : i32
      %lt3A = arith.cmpi slt, %add3A_136, %add3A_56 : i32
      %convert_element_type3A_137 = arith.extui %lt3A : i1 to i32
      %cond3A_138 = arith.constant 0 : i32
      %cond3A_139 = arith.cmpi ne, %convert_element_type3A_137, %cond3A_138 : i32
      scf.if %cond3A_139 {
        %add3A_140 = arith.constant 2 : i32
        %add3A_141 = arith.addi %while3A_90, %add3A_140 : i32
        %mul3A_142 = arith.constant 32 : i32
        %mul3A_143 = arith.muli %add3A_141, %mul3A_142 : i32
        %add3A_144 = arith.addi %add3A, %mul3A_143 : i32
        %mul3A_145 = arith.constant 128 : i32
        %mul3A_146 = arith.muli %add3A_144, %mul3A_145 : i32
        %dma_start3A_147 = arith.constant 0 : i32
        %dma_start3A_148 = arith.constant 0 : i32
        %dma_start3A_149 = tpu.memref_slice %arg4[%rem3A_94, %dma_start3A_147, %dma_start3A_148] : memref<2x64x128xf32, #tpu.memory_space<vmem>> -> memref<1x64x128xf32, #tpu.memory_space<vmem>>
        %dma_start3A_150 = tpu.memref_squeeze %dma_start3A_149 : memref<1x64x128xf32, #tpu.memory_space<vmem>> -> memref<64x128xf32, #tpu.memory_space<vmem>>
        %dma_start3A_151 = arith.constant 0 : i32
        %dma_start3A_152 = tpu.memref_slice %arg2[%dma_start3A_151, %mul3A_146] : memref<64x1000000xf32, #tpu.memory_space<hbm>> -> memref<64x128xf32, #tpu.memory_space<hbm>>
        %dma_start3A_153 = tpu.memref_slice %arg6[%rem3A_94] : memref<2x!tpu.dma_semaphore, #tpu.memory_space<semaphore_mem>> -> memref<1x!tpu.dma_semaphore, #tpu.memory_space<semaphore_mem>>
        %dma_start3A_154 = tpu.memref_squeeze %dma_start3A_153 : memref<1x!tpu.dma_semaphore, #tpu.memory_space<semaphore_mem>> -> memref<!tpu.dma_semaphore, #tpu.memory_space<semaphore_mem>>
        %dma_start3A_155 = arith.constant 0 : i32
        %dma_start3A_156 = arith.constant 0 : i32
        %dma_start3A_157 = tpu.memref_slice %arg4[%rem3A_94, %dma_start3A_155, %dma_start3A_156] : memref<2x64x128xf32, #tpu.memory_space<vmem>> -> memref<1x64x128xf32, #tpu.memory_space<vmem>>
        %dma_start3A_158 = tpu.memref_squeeze %dma_start3A_157 : memref<1x64x128xf32, #tpu.memory_space<vmem>> -> memref<64x128xf32, #tpu.memory_space<vmem>>
        %dma_start3A_159 = arith.constant 0 : i32
        %dma_start3A_160 = tpu.memref_slice %arg2[%dma_start3A_159, %mul3A_146] : memref<64x1000000xf32, #tpu.memory_space<hbm>> -> memref<64x128xf32, #tpu.memory_space<hbm>>
        tpu.enqueue_dma source(%dma_start3A_160 : memref<64x128xf32, #tpu.memory_space<hbm>>) target(%dma_start3A_158 : memref<64x128xf32, #tpu.memory_space<vmem>>) target_semaphore(%dma_start3A_154 : memref<!tpu.dma_semaphore, #tpu.memory_space<semaphore_mem>>)
      } else {
      }
    }
    %while3A_72 = arith.constant 1 : i32
    scf.for %while3A_90 = %while3A_70 to %while3A_66 step %while3A_72  : i32 {
      %mul3A_91 = arith.constant 32 : i32
      %mul3A_92 = arith.muli %while3A_90, %mul3A_91 : i32
      %add3A_93 = arith.addi %add3A, %mul3A_92 : i32
      %rem3A = arith.constant 2 : i32
      %rem3A_94 = arith.remsi %while3A_90, %rem3A : i32
      %mul3A_95 = arith.constant 32 : i32
      %mul3A_96 = arith.muli %while3A_90, %mul3A_95 : i32
      %add3A_97 = arith.addi %add3A, %mul3A_96 : i32
      %mul3A_98 = arith.constant 128 : i32
      %mul3A_99 = arith.muli %add3A_97, %mul3A_98 : i32
      %dma_wait3A = arith.constant 0 : i32
      %dma_wait3A_100 = arith.constant 0 : i32
      %dma_wait3A_101 = tpu.memref_slice %arg4[%rem3A_94, %dma_wait3A, %dma_wait3A_100] : memref<2x64x128xf32, #tpu.memory_space<vmem>> -> memref<1x64x128xf32, #tpu.memory_space<vmem>>
      %dma_wait3A_102 = tpu.memref_squeeze %dma_wait3A_101 : memref<1x64x128xf32, #tpu.memory_space<vmem>> -> memref<64x128xf32, #tpu.memory_space<vmem>>
      %dma_wait3A_103 = arith.constant 0 : i32
      %dma_wait3A_104 = tpu.memref_slice %arg2[%dma_wait3A_103, %mul3A_99] : memref<64x1000000xf32, #tpu.memory_space<hbm>> -> memref<64x128xf32, #tpu.memory_space<hbm>>
      %dma_wait3A_105 = tpu.memref_slice %arg6[%rem3A_94] : memref<2x!tpu.dma_semaphore, #tpu.memory_space<semaphore_mem>> -> memref<1x!tpu.dma_semaphore, #tpu.memory_space<semaphore_mem>>
      %dma_wait3A_106 = tpu.memref_squeeze %dma_wait3A_105 : memref<1x!tpu.dma_semaphore, #tpu.memory_space<semaphore_mem>> -> memref<!tpu.dma_semaphore, #tpu.memory_space<semaphore_mem>>
      %dma_wait3A_107 = arith.constant 0 : i32
      %dma_wait3A_108 = arith.constant 0 : i32
      %dma_wait3A_109 = tpu.memref_slice %arg4[%rem3A_94, %dma_wait3A_107, %dma_wait3A_108] : memref<2x64x128xf32, #tpu.memory_space<vmem>> -> memref<1x64x128xf32, #tpu.memory_space<vmem>>
      %dma_wait3A_110 = tpu.memref_squeeze %dma_wait3A_109 : memref<1x64x128xf32, #tpu.memory_space<vmem>> -> memref<64x128xf32, #tpu.memory_space<vmem>>
      %dma_wait3A_111 = arith.constant 0 : i32
      %dma_wait3A_112 = tpu.memref_slice %arg2[%dma_wait3A_111, %mul3A_99] : memref<64x1000000xf32, #tpu.memory_space<hbm>> -> memref<64x128xf32, #tpu.memory_space<hbm>>
      tpu.wait_dma2 semaphore(%dma_wait3A_106 : memref<!tpu.dma_semaphore, #tpu.memory_space<semaphore_mem>>) src(%dma_wait3A_112 : memref<64x128xf32, #tpu.memory_space<hbm>>) dst(%dma_wait3A_110 : memref<64x128xf32, #tpu.memory_space<vmem>>)
      %ge3A_113 = arith.constant 2 : i32
      %ge3A_114 = arith.cmpi sge, %while3A_90, %ge3A_113 : i32
      %convert_element_type3A_115 = arith.extui %ge3A_114 : i1 to i32
      %cond3A_116 = arith.constant 0 : i32
      %cond3A_117 = arith.cmpi ne, %convert_element_type3A_115, %cond3A_116 : i32
      scf.if %cond3A_117 {
        %sub3A_140 = arith.constant 2 : i32
        %sub3A_141 = arith.subi %while3A_90, %sub3A_140 : i32
        %mul3A_142 = arith.constant 32 : i32
        %mul3A_143 = arith.muli %sub3A_141, %mul3A_142 : i32
        %add3A_144 = arith.addi %add3A, %mul3A_143 : i32
        %mul3A_145 = arith.constant 64 : i32
        %mul3A_146 = arith.muli %add3A_144, %mul3A_145 : i32
        %dma_wait3A_147 = arith.constant 0 : i32
        %dma_wait3A_148 = arith.constant 0 : i32
        %dma_wait3A_149 = tpu.memref_slice %arg5[%rem3A_94, %dma_wait3A_147, %dma_wait3A_148] : memref<2x64x128xf32, #tpu.memory_space<vmem>> -> memref<1x64x128xf32, #tpu.memory_space<vmem>>
        %dma_wait3A_150 = tpu.memref_squeeze %dma_wait3A_149 : memref<1x64x128xf32, #tpu.memory_space<vmem>> -> memref<64x128xf32, #tpu.memory_space<vmem>>
        %dma_wait3A_151 = arith.constant 0 : i32
        %dma_wait3A_152 = tpu.memref_slice %arg3[%mul3A_146, %dma_wait3A_151] : memref<500000x128xf32, #tpu.memory_space<hbm>> -> memref<64x128xf32, #tpu.memory_space<hbm>>
        %dma_wait3A_153 = tpu.memref_slice %arg7[%rem3A_94] : memref<2x!tpu.dma_semaphore, #tpu.memory_space<semaphore_mem>> -> memref<1x!tpu.dma_semaphore, #tpu.memory_space<semaphore_mem>>
        %dma_wait3A_154 = tpu.memref_squeeze %dma_wait3A_153 : memref<1x!tpu.dma_semaphore, #tpu.memory_space<semaphore_mem>> -> memref<!tpu.dma_semaphore, #tpu.memory_space<semaphore_mem>>
        %dma_wait3A_155 = arith.constant 0 : i32
        %dma_wait3A_156 = tpu.memref_slice %arg3[%mul3A_146, %dma_wait3A_155] : memref<500000x128xf32, #tpu.memory_space<hbm>> -> memref<64x128xf32, #tpu.memory_space<hbm>>
        %dma_wait3A_157 = arith.constant 0 : i32
        %dma_wait3A_158 = arith.constant 0 : i32
        %dma_wait3A_159 = tpu.memref_slice %arg5[%rem3A_94, %dma_wait3A_157, %dma_wait3A_158] : memref<2x64x128xf32, #tpu.memory_space<vmem>> -> memref<1x64x128xf32, #tpu.memory_space<vmem>>
        %dma_wait3A_160 = tpu.memref_squeeze %dma_wait3A_159 : memref<1x64x128xf32, #tpu.memory_space<vmem>> -> memref<64x128xf32, #tpu.memory_space<vmem>>
        tpu.wait_dma2 semaphore(%dma_wait3A_154 : memref<!tpu.dma_semaphore, #tpu.memory_space<semaphore_mem>>) src(%dma_wait3A_160 : memref<64x128xf32, #tpu.memory_space<vmem>>) dst(%dma_wait3A_156 : memref<64x128xf32, #tpu.memory_space<hbm>>)
      } else {
      }
      %parallel_loop3A = arith.constant 0 : i32
      %parallel_loop3A_118 = arith.constant 64 : i32
      %parallel_loop3A_119 = arith.constant 1 : i32
      scf.for %parallel_loop3A_140 = %parallel_loop3A to %parallel_loop3A_118 step %parallel_loop3A_119  : i32 {
        %parallel_loop3A_141 = vector.broadcast %parallel_loop3A_140 : i32 to vector<16xi32>
        %parallel_loop3A_142 = arith.addi %parallel_loop3A_141, %iota3A : vector<16xi32>
        %parallel_loop3A_143 = arith.constant 64 : i32
        %parallel_loop3A_144 = vector.broadcast %parallel_loop3A_143 : i32 to vector<16xi32>
        %parallel_loop3A_145 = arith.cmpi sge, %parallel_loop3A_142, %parallel_loop3A_144 : vector<16xi32>
        %parallel_loop3A_146 = arith.constant 64 : i32
        %parallel_loop3A_147 = vector.broadcast %parallel_loop3A_146 : i32 to vector<16xi32>
        %parallel_loop3A_148 = arith.subi %parallel_loop3A_142, %parallel_loop3A_147 : vector<16xi32>
        %parallel_loop3A_149 = arith.select %parallel_loop3A_145, %parallel_loop3A_148, %parallel_loop3A_142 : vector<16xi1>, vector<16xi32>
        %parallel_loop3A_150 = arith.addi %parallel_loop3A_149, %mul3A_5 : vector<16xi32>
        %parallel_loop3A_151 = arith.constant 0 : i32
        %parallel_loop3A_152 = arith.constant 0 : i32
        %parallel_loop3A_153 = tpu.memref_slice %arg4[%rem3A_94, %parallel_loop3A_151, %parallel_loop3A_152] : memref<2x64x128xf32, #tpu.memory_space<vmem>> -> memref<1x64x128xf32, #tpu.memory_space<vmem>>
        %parallel_loop3A_154 = tpu.memref_squeeze %parallel_loop3A_153 : memref<1x64x128xf32, #tpu.memory_space<vmem>> -> memref<64x128xf32, #tpu.memory_space<vmem>>
        %parallel_loop3A_155 = tpu.vector_load_idx %parallel_loop3A_154[%parallel_loop3A_149, %add3A_8] : memref<64x128xf32, #tpu.memory_space<vmem>>[vector<16xi32>, vector<16xi32>], vector<16xf32>,
        %parallel_loop3A_156 = arith.constant 0 : i32
        %parallel_loop3A_157 = arith.constant 0 : i32
        %parallel_loop3A_158 = tpu.memref_slice %arg5[%rem3A_94, %parallel_loop3A_156, %parallel_loop3A_157] : memref<2x64x128xf32, #tpu.memory_space<vmem>> -> memref<1x64x128xf32, #tpu.memory_space<vmem>>
        %parallel_loop3A_159 = tpu.memref_squeeze %parallel_loop3A_158 : memref<1x64x128xf32, #tpu.memory_space<vmem>> -> memref<64x128xf32, #tpu.memory_space<vmem>>
        tpu.vector_store_idx %parallel_loop3A_159[%shift_right_logical3A_31, %parallel_loop3A_150], %parallel_loop3A_155 : memref<64x128xf32, #tpu.memory_space<vmem>>[vector<16xi32>, vector<16xi32>], vector<16xf32>,
        %parallel_loop3A_160 = arith.constant 0 : i32
        %parallel_loop3A_161 = arith.constant 0 : i32
        %parallel_loop3A_162 = tpu.memref_slice %arg4[%rem3A_94, %parallel_loop3A_160, %parallel_loop3A_161] : memref<2x64x128xf32, #tpu.memory_space<vmem>> -> memref<1x64x128xf32, #tpu.memory_space<vmem>>
        %parallel_loop3A_163 = tpu.memref_squeeze %parallel_loop3A_162 : memref<1x64x128xf32, #tpu.memory_space<vmem>> -> memref<64x128xf32, #tpu.memory_space<vmem>>
        %parallel_loop3A_164 = tpu.vector_load_idx %parallel_loop3A_163[%parallel_loop3A_149, %add3A_11] : memref<64x128xf32, #tpu.memory_space<vmem>>[vector<16xi32>, vector<16xi32>], vector<16xf32>,
        %parallel_loop3A_165 = arith.constant 0 : i32
        %parallel_loop3A_166 = arith.constant 0 : i32
        %parallel_loop3A_167 = tpu.memref_slice %arg5[%rem3A_94, %parallel_loop3A_165, %parallel_loop3A_166] : memref<2x64x128xf32, #tpu.memory_space<vmem>> -> memref<1x64x128xf32, #tpu.memory_space<vmem>>
        %parallel_loop3A_168 = tpu.memref_squeeze %parallel_loop3A_167 : memref<1x64x128xf32, #tpu.memory_space<vmem>> -> memref<64x128xf32, #tpu.memory_space<vmem>>
        tpu.vector_store_idx %parallel_loop3A_168[%shift_right_logical3A_34, %parallel_loop3A_150], %parallel_loop3A_164 : memref<64x128xf32, #tpu.memory_space<vmem>>[vector<16xi32>, vector<16xi32>], vector<16xf32>,
        %parallel_loop3A_169 = arith.constant 0 : i32
        %parallel_loop3A_170 = arith.constant 0 : i32
        %parallel_loop3A_171 = tpu.memref_slice %arg4[%rem3A_94, %parallel_loop3A_169, %parallel_loop3A_170] : memref<2x64x128xf32, #tpu.memory_space<vmem>> -> memref<1x64x128xf32, #tpu.memory_space<vmem>>
        %parallel_loop3A_172 = tpu.memref_squeeze %parallel_loop3A_171 : memref<1x64x128xf32, #tpu.memory_space<vmem>> -> memref<64x128xf32, #tpu.memory_space<vmem>>
        %parallel_loop3A_173 = tpu.vector_load_idx %parallel_loop3A_172[%parallel_loop3A_149, %add3A_14] : memref<64x128xf32, #tpu.memory_space<vmem>>[vector<16xi32>, vector<16xi32>], vector<16xf32>,
        %parallel_loop3A_174 = arith.constant 0 : i32
        %parallel_loop3A_175 = arith.constant 0 : i32
        %parallel_loop3A_176 = tpu.memref_slice %arg5[%rem3A_94, %parallel_loop3A_174, %parallel_loop3A_175] : memref<2x64x128xf32, #tpu.memory_space<vmem>> -> memref<1x64x128xf32, #tpu.memory_space<vmem>>
        %parallel_loop3A_177 = tpu.memref_squeeze %parallel_loop3A_176 : memref<1x64x128xf32, #tpu.memory_space<vmem>> -> memref<64x128xf32, #tpu.memory_space<vmem>>
        tpu.vector_store_idx %parallel_loop3A_177[%shift_right_logical3A_37, %parallel_loop3A_150], %parallel_loop3A_173 : memref<64x128xf32, #tpu.memory_space<vmem>>[vector<16xi32>, vector<16xi32>], vector<16xf32>,
        %parallel_loop3A_178 = arith.constant 0 : i32
        %parallel_loop3A_179 = arith.constant 0 : i32
        %parallel_loop3A_180 = tpu.memref_slice %arg4[%rem3A_94, %parallel_loop3A_178, %parallel_loop3A_179] : memref<2x64x128xf32, #tpu.memory_space<vmem>> -> memref<1x64x128xf32, #tpu.memory_space<vmem>>
        %parallel_loop3A_181 = tpu.memref_squeeze %parallel_loop3A_180 : memref<1x64x128xf32, #tpu.memory_space<vmem>> -> memref<64x128xf32, #tpu.memory_space<vmem>>
        %parallel_loop3A_182 = tpu.vector_load_idx %parallel_loop3A_181[%parallel_loop3A_149, %add3A_17] : memref<64x128xf32, #tpu.memory_space<vmem>>[vector<16xi32>, vector<16xi32>], vector<16xf32>,
        %parallel_loop3A_183 = arith.constant 0 : i32
        %parallel_loop3A_184 = arith.constant 0 : i32
        %parallel_loop3A_185 = tpu.memref_slice %arg5[%rem3A_94, %parallel_loop3A_183, %parallel_loop3A_184] : memref<2x64x128xf32, #tpu.memory_space<vmem>> -> memref<1x64x128xf32, #tpu.memory_space<vmem>>
        %parallel_loop3A_186 = tpu.memref_squeeze %parallel_loop3A_185 : memref<1x64x128xf32, #tpu.memory_space<vmem>> -> memref<64x128xf32, #tpu.memory_space<vmem>>
        tpu.vector_store_idx %parallel_loop3A_186[%shift_right_logical3A_40, %parallel_loop3A_150], %parallel_loop3A_182 : memref<64x128xf32, #tpu.memory_space<vmem>>[vector<16xi32>, vector<16xi32>], vector<16xf32>,
        %parallel_loop3A_187 = arith.constant 0 : i32
        %parallel_loop3A_188 = arith.constant 0 : i32
        %parallel_loop3A_189 = tpu.memref_slice %arg4[%rem3A_94, %parallel_loop3A_187, %parallel_loop3A_188] : memref<2x64x128xf32, #tpu.memory_space<vmem>> -> memref<1x64x128xf32, #tpu.memory_space<vmem>>
        %parallel_loop3A_190 = tpu.memref_squeeze %parallel_loop3A_189 : memref<1x64x128xf32, #tpu.memory_space<vmem>> -> memref<64x128xf32, #tpu.memory_space<vmem>>
        %parallel_loop3A_191 = tpu.vector_load_idx %parallel_loop3A_190[%parallel_loop3A_149, %add3A_20] : memref<64x128xf32, #tpu.memory_space<vmem>>[vector<16xi32>, vector<16xi32>], vector<16xf32>,
        %parallel_loop3A_192 = arith.constant 0 : i32
        %parallel_loop3A_193 = arith.constant 0 : i32
        %parallel_loop3A_194 = tpu.memref_slice %arg5[%rem3A_94, %parallel_loop3A_192, %parallel_loop3A_193] : memref<2x64x128xf32, #tpu.memory_space<vmem>> -> memref<1x64x128xf32, #tpu.memory_space<vmem>>
        %parallel_loop3A_195 = tpu.memref_squeeze %parallel_loop3A_194 : memref<1x64x128xf32, #tpu.memory_space<vmem>> -> memref<64x128xf32, #tpu.memory_space<vmem>>
        tpu.vector_store_idx %parallel_loop3A_195[%shift_right_logical3A_43, %parallel_loop3A_150], %parallel_loop3A_191 : memref<64x128xf32, #tpu.memory_space<vmem>>[vector<16xi32>, vector<16xi32>], vector<16xf32>,
        %parallel_loop3A_196 = arith.constant 0 : i32
        %parallel_loop3A_197 = arith.constant 0 : i32
        %parallel_loop3A_198 = tpu.memref_slice %arg4[%rem3A_94, %parallel_loop3A_196, %parallel_loop3A_197] : memref<2x64x128xf32, #tpu.memory_space<vmem>> -> memref<1x64x128xf32, #tpu.memory_space<vmem>>
        %parallel_loop3A_199 = tpu.memref_squeeze %parallel_loop3A_198 : memref<1x64x128xf32, #tpu.memory_space<vmem>> -> memref<64x128xf32, #tpu.memory_space<vmem>>
        %parallel_loop3A_200 = tpu.vector_load_idx %parallel_loop3A_199[%parallel_loop3A_149, %add3A_23] : memref<64x128xf32, #tpu.memory_space<vmem>>[vector<16xi32>, vector<16xi32>], vector<16xf32>,
        %parallel_loop3A_201 = arith.constant 0 : i32
        %parallel_loop3A_202 = arith.constant 0 : i32
        %parallel_loop3A_203 = tpu.memref_slice %arg5[%rem3A_94, %parallel_loop3A_201, %parallel_loop3A_202] : memref<2x64x128xf32, #tpu.memory_space<vmem>> -> memref<1x64x128xf32, #tpu.memory_space<vmem>>
        %parallel_loop3A_204 = tpu.memref_squeeze %parallel_loop3A_203 : memref<1x64x128xf32, #tpu.memory_space<vmem>> -> memref<64x128xf32, #tpu.memory_space<vmem>>
        tpu.vector_store_idx %parallel_loop3A_204[%shift_right_logical3A_46, %parallel_loop3A_150], %parallel_loop3A_200 : memref<64x128xf32, #tpu.memory_space<vmem>>[vector<16xi32>, vector<16xi32>], vector<16xf32>,
        %parallel_loop3A_205 = arith.constant 0 : i32
        %parallel_loop3A_206 = arith.constant 0 : i32
        %parallel_loop3A_207 = tpu.memref_slice %arg4[%rem3A_94, %parallel_loop3A_205, %parallel_loop3A_206] : memref<2x64x128xf32, #tpu.memory_space<vmem>> -> memref<1x64x128xf32, #tpu.memory_space<vmem>>
        %parallel_loop3A_208 = tpu.memref_squeeze %parallel_loop3A_207 : memref<1x64x128xf32, #tpu.memory_space<vmem>> -> memref<64x128xf32, #tpu.memory_space<vmem>>
        %parallel_loop3A_209 = tpu.vector_load_idx %parallel_loop3A_208[%parallel_loop3A_149, %add3A_26] : memref<64x128xf32, #tpu.memory_space<vmem>>[vector<16xi32>, vector<16xi32>], vector<16xf32>,
        %parallel_loop3A_210 = arith.constant 0 : i32
        %parallel_loop3A_211 = arith.constant 0 : i32
        %parallel_loop3A_212 = tpu.memref_slice %arg5[%rem3A_94, %parallel_loop3A_210, %parallel_loop3A_211] : memref<2x64x128xf32, #tpu.memory_space<vmem>> -> memref<1x64x128xf32, #tpu.memory_space<vmem>>
        %parallel_loop3A_213 = tpu.memref_squeeze %parallel_loop3A_212 : memref<1x64x128xf32, #tpu.memory_space<vmem>> -> memref<64x128xf32, #tpu.memory_space<vmem>>
        tpu.vector_store_idx %parallel_loop3A_213[%shift_right_logical3A_49, %parallel_loop3A_150], %parallel_loop3A_209 : memref<64x128xf32, #tpu.memory_space<vmem>>[vector<16xi32>, vector<16xi32>], vector<16xf32>,
        %parallel_loop3A_214 = arith.constant 0 : i32
        %parallel_loop3A_215 = arith.constant 0 : i32
        %parallel_loop3A_216 = tpu.memref_slice %arg4[%rem3A_94, %parallel_loop3A_214, %parallel_loop3A_215] : memref<2x64x128xf32, #tpu.memory_space<vmem>> -> memref<1x64x128xf32, #tpu.memory_space<vmem>>
        %parallel_loop3A_217 = tpu.memref_squeeze %parallel_loop3A_216 : memref<1x64x128xf32, #tpu.memory_space<vmem>> -> memref<64x128xf32, #tpu.memory_space<vmem>>
        %parallel_loop3A_218 = tpu.vector_load_idx %parallel_loop3A_217[%parallel_loop3A_149, %add3A_29] : memref<64x128xf32, #tpu.memory_space<vmem>>[vector<16xi32>, vector<16xi32>], vector<16xf32>,
        %parallel_loop3A_219 = arith.constant 0 : i32
        %parallel_loop3A_220 = arith.constant 0 : i32
        %parallel_loop3A_221 = tpu.memref_slice %arg5[%rem3A_94, %parallel_loop3A_219, %parallel_loop3A_220] : memref<2x64x128xf32, #tpu.memory_space<vmem>> -> memref<1x64x128xf32, #tpu.memory_space<vmem>>
        %parallel_loop3A_222 = tpu.memref_squeeze %parallel_loop3A_221 : memref<1x64x128xf32, #tpu.memory_space<vmem>> -> memref<64x128xf32, #tpu.memory_space<vmem>>
        tpu.vector_store_idx %parallel_loop3A_222[%shift_right_logical3A_52, %parallel_loop3A_150], %parallel_loop3A_218 : memref<64x128xf32, #tpu.memory_space<vmem>>[vector<16xi32>, vector<16xi32>], vector<16xf32>,
      } {sc.loop_unroll_factor = 4 : i64, sc.parallel_access}
      %mul3A_120 = arith.constant 64 : i32
      %mul3A_121 = arith.muli %add3A_93, %mul3A_120 : i32
      %dma_start3A = arith.constant 0 : i32
      %dma_start3A_122 = arith.constant 0 : i32
      %dma_start3A_123 = tpu.memref_slice %arg5[%rem3A_94, %dma_start3A, %dma_start3A_122] : memref<2x64x128xf32, #tpu.memory_space<vmem>> -> memref<1x64x128xf32, #tpu.memory_space<vmem>>
      %dma_start3A_124 = tpu.memref_squeeze %dma_start3A_123 : memref<1x64x128xf32, #tpu.memory_space<vmem>> -> memref<64x128xf32, #tpu.memory_space<vmem>>
      %dma_start3A_125 = arith.constant 0 : i32
      %dma_start3A_126 = tpu.memref_slice %arg3[%mul3A_121, %dma_start3A_125] : memref<500000x128xf32, #tpu.memory_space<hbm>> -> memref<64x128xf32, #tpu.memory_space<hbm>>
      %dma_start3A_127 = tpu.memref_slice %arg7[%rem3A_94] : memref<2x!tpu.dma_semaphore, #tpu.memory_space<semaphore_mem>> -> memref<1x!tpu.dma_semaphore, #tpu.memory_space<semaphore_mem>>
      %dma_start3A_128 = tpu.memref_squeeze %dma_start3A_127 : memref<1x!tpu.dma_semaphore, #tpu.memory_space<semaphore_mem>> -> memref<!tpu.dma_semaphore, #tpu.memory_space<semaphore_mem>>
      %dma_start3A_129 = arith.constant 0 : i32
      %dma_start3A_130 = tpu.memref_slice %arg3[%mul3A_121, %dma_start3A_129] : memref<500000x128xf32, #tpu.memory_space<hbm>> -> memref<64x128xf32, #tpu.memory_space<hbm>>
      %dma_start3A_131 = arith.constant 0 : i32
      %dma_start3A_132 = arith.constant 0 : i32
      %dma_start3A_133 = tpu.memref_slice %arg5[%rem3A_94, %dma_start3A_131, %dma_start3A_132] : memref<2x64x128xf32, #tpu.memory_space<vmem>> -> memref<1x64x128xf32, #tpu.memory_space<vmem>>
      %dma_start3A_134 = tpu.memref_squeeze %dma_start3A_133 : memref<1x64x128xf32, #tpu.memory_space<vmem>> -> memref<64x128xf32, #tpu.memory_space<vmem>>
      tpu.enqueue_dma source(%dma_start3A_134 : memref<64x128xf32, #tpu.memory_space<vmem>>) target(%dma_start3A_130 : memref<64x128xf32, #tpu.memory_space<hbm>>) target_semaphore(%dma_start3A_128 : memref<!tpu.dma_semaphore, #tpu.memory_space<semaphore_mem>>)
      %add3A_135 = arith.constant 2 : i32
      %add3A_136 = arith.addi %while3A_90, %add3A_135 : i32
      %lt3A = arith.cmpi slt, %add3A_136, %add3A_56 : i32
      %convert_element_type3A_137 = arith.extui %lt3A : i1 to i32
      %cond3A_138 = arith.constant 0 : i32
      %cond3A_139 = arith.cmpi ne, %convert_element_type3A_137, %cond3A_138 : i32
      scf.if %cond3A_139 {
        %add3A_140 = arith.constant 2 : i32
        %add3A_141 = arith.addi %while3A_90, %add3A_140 : i32
        %mul3A_142 = arith.constant 32 : i32
        %mul3A_143 = arith.muli %add3A_141, %mul3A_142 : i32
        %add3A_144 = arith.addi %add3A, %mul3A_143 : i32
        %mul3A_145 = arith.constant 128 : i32
        %mul3A_146 = arith.muli %add3A_144, %mul3A_145 : i32
        %dma_start3A_147 = arith.constant 0 : i32
        %dma_start3A_148 = arith.constant 0 : i32
        %dma_start3A_149 = tpu.memref_slice %arg4[%rem3A_94, %dma_start3A_147, %dma_start3A_148] : memref<2x64x128xf32, #tpu.memory_space<vmem>> -> memref<1x64x128xf32, #tpu.memory_space<vmem>>
        %dma_start3A_150 = tpu.memref_squeeze %dma_start3A_149 : memref<1x64x128xf32, #tpu.memory_space<vmem>> -> memref<64x128xf32, #tpu.memory_space<vmem>>
        %dma_start3A_151 = arith.constant 0 : i32
        %dma_start3A_152 = tpu.memref_slice %arg2[%dma_start3A_151, %mul3A_146] : memref<64x1000000xf32, #tpu.memory_space<hbm>> -> memref<64x128xf32, #tpu.memory_space<hbm>>
        %dma_start3A_153 = tpu.memref_slice %arg6[%rem3A_94] : memref<2x!tpu.dma_semaphore, #tpu.memory_space<semaphore_mem>> -> memref<1x!tpu.dma_semaphore, #tpu.memory_space<semaphore_mem>>
        %dma_start3A_154 = tpu.memref_squeeze %dma_start3A_153 : memref<1x!tpu.dma_semaphore, #tpu.memory_space<semaphore_mem>> -> memref<!tpu.dma_semaphore, #tpu.memory_space<semaphore_mem>>
        %dma_start3A_155 = arith.constant 0 : i32
        %dma_start3A_156 = arith.constant 0 : i32
        %dma_start3A_157 = tpu.memref_slice %arg4[%rem3A_94, %dma_start3A_155, %dma_start3A_156] : memref<2x64x128xf32, #tpu.memory_space<vmem>> -> memref<1x64x128xf32, #tpu.memory_space<vmem>>
        %dma_start3A_158 = tpu.memref_squeeze %dma_start3A_157 : memref<1x64x128xf32, #tpu.memory_space<vmem>> -> memref<64x128xf32, #tpu.memory_space<vmem>>
        %dma_start3A_159 = arith.constant 0 : i32
        %dma_start3A_160 = tpu.memref_slice %arg2[%dma_start3A_159, %mul3A_146] : memref<64x1000000xf32, #tpu.memory_space<hbm>> -> memref<64x128xf32, #tpu.memory_space<hbm>>
        tpu.enqueue_dma source(%dma_start3A_160 : memref<64x128xf32, #tpu.memory_space<hbm>>) target(%dma_start3A_158 : memref<64x128xf32, #tpu.memory_space<vmem>>) target_semaphore(%dma_start3A_154 : memref<!tpu.dma_semaphore, #tpu.memory_space<semaphore_mem>>)
      } else {
      }
    }
    %sub3A_73 = arith.constant 2 : i32
    %sub3A_74 = arith.subi %add3A_56, %sub3A_73 : i32
    %add3A_75 = arith.constant 0 : i32
    %add3A_76 = arith.addi %sub3A_74, %add3A_75 : i32
    %ge3A = arith.constant 0 : i32
    %ge3A_77 = arith.cmpi sge, %add3A_76, %ge3A : i32
    %convert_element_type3A_78 = arith.extui %ge3A_77 : i1 to i32
    %cond3A_79 = arith.constant 0 : i32
    %cond3A_80 = arith.cmpi ne, %convert_element_type3A_78, %cond3A_79 : i32
    scf.if %cond3A_80 {
      %mul3A_90 = arith.constant 32 : i32
      %mul3A_91 = arith.muli %add3A_76, %mul3A_90 : i32
      %add3A_92 = arith.addi %add3A, %mul3A_91 : i32
      %rem3A = arith.constant 2 : i32
      %rem3A_93 = arith.remsi %add3A_76, %rem3A : i32
      %mul3A_94 = arith.constant 64 : i32
      %mul3A_95 = arith.muli %add3A_92, %mul3A_94 : i32
      %rem3A_96 = arith.constant 2 : i32
      %rem3A_97 = arith.remsi %add3A_76, %rem3A_96 : i32
      %dma_wait3A = arith.constant 0 : i32
      %dma_wait3A_98 = arith.constant 0 : i32
      %dma_wait3A_99 = tpu.memref_slice %arg5[%rem3A_93, %dma_wait3A, %dma_wait3A_98] : memref<2x64x128xf32, #tpu.memory_space<vmem>> -> memref<1x64x128xf32, #tpu.memory_space<vmem>>
      %dma_wait3A_100 = tpu.memref_squeeze %dma_wait3A_99 : memref<1x64x128xf32, #tpu.memory_space<vmem>> -> memref<64x128xf32, #tpu.memory_space<vmem>>
      %dma_wait3A_101 = arith.constant 0 : i32
      %dma_wait3A_102 = tpu.memref_slice %arg3[%mul3A_95, %dma_wait3A_101] : memref<500000x128xf32, #tpu.memory_space<hbm>> -> memref<64x128xf32, #tpu.memory_space<hbm>>
      %dma_wait3A_103 = tpu.memref_slice %arg7[%rem3A_97] : memref<2x!tpu.dma_semaphore, #tpu.memory_space<semaphore_mem>> -> memref<1x!tpu.dma_semaphore, #tpu.memory_space<semaphore_mem>>
      %dma_wait3A_104 = tpu.memref_squeeze %dma_wait3A_103 : memref<1x!tpu.dma_semaphore, #tpu.memory_space<semaphore_mem>> -> memref<!tpu.dma_semaphore, #tpu.memory_space<semaphore_mem>>
      %dma_wait3A_105 = arith.constant 0 : i32
      %dma_wait3A_106 = tpu.memref_slice %arg3[%mul3A_95, %dma_wait3A_105] : memref<500000x128xf32, #tpu.memory_space<hbm>> -> memref<64x128xf32, #tpu.memory_space<hbm>>
      %dma_wait3A_107 = arith.constant 0 : i32
      %dma_wait3A_108 = arith.constant 0 : i32
      %dma_wait3A_109 = tpu.memref_slice %arg5[%rem3A_93, %dma_wait3A_107, %dma_wait3A_108] : memref<2x64x128xf32, #tpu.memory_space<vmem>> -> memref<1x64x128xf32, #tpu.memory_space<vmem>>
      %dma_wait3A_110 = tpu.memref_squeeze %dma_wait3A_109 : memref<1x64x128xf32, #tpu.memory_space<vmem>> -> memref<64x128xf32, #tpu.memory_space<vmem>>
      tpu.wait_dma2 semaphore(%dma_wait3A_104 : memref<!tpu.dma_semaphore, #tpu.memory_space<semaphore_mem>>) src(%dma_wait3A_110 : memref<64x128xf32, #tpu.memory_space<vmem>>) dst(%dma_wait3A_106 : memref<64x128xf32, #tpu.memory_space<hbm>>)
    } else {
    }
    %sub3A_81 = arith.constant 2 : i32
    %sub3A_82 = arith.subi %add3A_56, %sub3A_81 : i32
    %add3A_83 = arith.constant 1 : i32
    %add3A_84 = arith.addi %sub3A_82, %add3A_83 : i32
    %ge3A_85 = arith.constant 0 : i32
    %ge3A_86 = arith.cmpi sge, %add3A_84, %ge3A_85 : i32
    %convert_element_type3A_87 = arith.extui %ge3A_86 : i1 to i32
    %cond3A_88 = arith.constant 0 : i32
    %cond3A_89 = arith.cmpi ne, %convert_element_type3A_87, %cond3A_88 : i32
    scf.if %cond3A_89 {
      %mul3A_90 = arith.constant 32 : i32
      %mul3A_91 = arith.muli %add3A_84, %mul3A_90 : i32
      %add3A_92 = arith.addi %add3A, %mul3A_91 : i32
      %rem3A = arith.constant 2 : i32
      %rem3A_93 = arith.remsi %add3A_84, %rem3A : i32
      %mul3A_94 = arith.constant 64 : i32
      %mul3A_95 = arith.muli %add3A_92, %mul3A_94 : i32
      %rem3A_96 = arith.constant 2 : i32
      %rem3A_97 = arith.remsi %add3A_84, %rem3A_96 : i32
      %dma_wait3A = arith.constant 0 : i32
      %dma_wait3A_98 = arith.constant 0 : i32
      %dma_wait3A_99 = tpu.memref_slice %arg5[%rem3A_93, %dma_wait3A, %dma_wait3A_98] : memref<2x64x128xf32, #tpu.memory_space<vmem>> -> memref<1x64x128xf32, #tpu.memory_space<vmem>>
      %dma_wait3A_100 = tpu.memref_squeeze %dma_wait3A_99 : memref<1x64x128xf32, #tpu.memory_space<vmem>> -> memref<64x128xf32, #tpu.memory_space<vmem>>
      %dma_wait3A_101 = arith.constant 0 : i32
      %dma_wait3A_102 = tpu.memref_slice %arg3[%mul3A_95, %dma_wait3A_101] : memref<500000x128xf32, #tpu.memory_space<hbm>> -> memref<64x128xf32, #tpu.memory_space<hbm>>
      %dma_wait3A_103 = tpu.memref_slice %arg7[%rem3A_97] : memref<2x!tpu.dma_semaphore, #tpu.memory_space<semaphore_mem>> -> memref<1x!tpu.dma_semaphore, #tpu.memory_space<semaphore_mem>>
      %dma_wait3A_104 = tpu.memref_squeeze %dma_wait3A_103 : memref<1x!tpu.dma_semaphore, #tpu.memory_space<semaphore_mem>> -> memref<!tpu.dma_semaphore, #tpu.memory_space<semaphore_mem>>
      %dma_wait3A_105 = arith.constant 0 : i32
      %dma_wait3A_106 = tpu.memref_slice %arg3[%mul3A_95, %dma_wait3A_105] : memref<500000x128xf32, #tpu.memory_space<hbm>> -> memref<64x128xf32, #tpu.memory_space<hbm>>
      %dma_wait3A_107 = arith.constant 0 : i32
      %dma_wait3A_108 = arith.constant 0 : i32
      %dma_wait3A_109 = tpu.memref_slice %arg5[%rem3A_93, %dma_wait3A_107, %dma_wait3A_108] : memref<2x64x128xf32, #tpu.memory_space<vmem>> -> memref<1x64x128xf32, #tpu.memory_space<vmem>>
      %dma_wait3A_110 = tpu.memref_squeeze %dma_wait3A_109 : memref<1x64x128xf32, #tpu.memory_space<vmem>> -> memref<64x128xf32, #tpu.memory_space<vmem>>
      tpu.wait_dma2 semaphore(%dma_wait3A_104 : memref<!tpu.dma_semaphore, #tpu.memory_space<semaphore_mem>>) src(%dma_wait3A_110 : memref<64x128xf32, #tpu.memory_space<vmem>>) dst(%dma_wait3A_106 : memref<64x128xf32, #tpu.memory_space<hbm>>)
    } else {
    }
    return
  }
}

</mosaic_0001>

<sc_bundles>
// kernel: _tr_call.3.cloned.1.call-start
scs
__scs_entry_jumppad:
0x0: {  	(pc) =	sbr.rel $0x88, $3  }
0x1: {  	(tag) =	ssettag $0x0;
	lr =	simm.s32 $0x1  }
0x2: {  	[smem:$0x3FA0] =	sst lr;
	_ =	strace $0xD0000000  }
0x3: {  	_ = 	snop  }
0x4: {  	_ = 	snop  }
0x5: {  	_ = 	snop  }
0x6: {  	_ = 	snop  }
0x7: {  	_ = 	snop  }
__scs_overlays_trampoline_lowered:
0x8: {  	[smem:$0x3FAF] =	sst s0  }
0x9: {  	[smem:$0x3FB0] =	sst s1  }
0xa: {  	[smem:$0x3FB1] =	sst s2  }
0xb: {  	[smem:$0x3FB2] =	sst s3  }
0xc: {  	[smem:$0x3FB3] =	sst s4  }
0xd: {  	[smem:$0x3FB4] =	sst s5  }
0xe: {  	[smem:$0x3FB5] =	sst s6  }
0xf: {  	[smem:$0x3FB6] =	sst s7  }
0x10: {  	[smem:$0x3FB7] =	sst s8  }
0x11: {  	[smem:$0x3FB8] =	sst s9;
	s0 =	simm.s32 @!p0 $0x0  }
0x12: {  	s1 =	sld [smem:$0x3F9E];
	s0 =	simm.s32 @p0 $0x1  }
0x13: {  	[smem:$0x3FB9] =	sst s0;
	s0 =	simm.s32 @!p1 $0x0  }
0x14: {  	s2 =	sld [smem:$0x3F9D];
	s0 =	simm.s32 @p1 $0x1  }
0x15: {  	[smem:$0x3FBA] =	sst s0;
	s0 =	simm.s32 @!p2 $0x0  }
0x16: {  	s3 =	sld [smem:$0x3FDB];
	s0 =	simm.s32 @p2 $0x1  }
0x17: {  	s4 =	simm.s32 $0x1BF5;
	[smem:$0x3FBC] =	sst s0  }
0x18: {  	s0 =	sld [smem:$0x3F9F];
	_ =	swait.ge [sflag:s4], $0x0  }
0x19: {  	s7 =	sld [smem:$0x3FA0]  }
0x1a: {  	s8 =	sadd.s32 $0xFFFFE003, lr  }
0x1b: {  	s9 =	sadd.s32 $0xFFFFFEF7, lr;
	s5 =	simm.s32 $0xFFFFFFFF;
	p2 =	slt.u32 s8, $0xFFFFF086  }
0x1c: {  	p1 =	slt.u32 s9, $0xF7A;
	s5 =	simm.s32 @!p2 $0x0  }
0x1d: {  	s5 =	simm.s32 @p1 $0x1;
	p0 =	seq.s32 s7, s2  }
0x1e: {  	s7 =	smul.u32 @!p0 $0xF7A, s2;
	p2 =	seq.s32 @!p0 s5, $0x0  }
0x1f: {  	s9 =	smul.u32 $0xF7A, s1;
	s8 =	simm.s32 @!p0 $0x1BF5;
	p2 =	por !p2, p0  }
0x20: {  	[sflag:s8] =	ssyncset.s32 @!p0 $0xFFFFF086;
	s6 =	sadd.s32 @!p0 s3, s7;
	s7 =	simm.s32 @!p0 $0x108  }
0x21: {  	s3 =	sadd.s32 s3, s9;
	s6 =	sadd.s32 @!p0 $0x88, s6;
	s7 =	simm.s32 @p2 $0x1082  }
0x22: {  	[simem:s7], [sflag:s8] =	dma.local @!p0 [hbm:s6], $0xF7A  }
0x23: {  	s9 =	sor.u32 $0xD0000000, s2;
	s6 =	simm.s32 $0x108;
	_ =	swait.ge @!p0 [sflag:s8], $0x0  }
0x24: {  	s3 =	sadd.s32 $0x88, s3;
	s6 =	simm.s32 @!p1 $0x1082;
	[sflag:s4] =	ssyncset.s32 $0xFFFFF086  }
0x25: {  	[simem:s6], [sflag:s4] =	dma.local [hbm:s3], $0xF7A  }
0x26: {  	[smem:$0x3FA0] =	sst s1;
	(tag) =	ssettag s2;
	_ =	strace s9  }
0x27: {  	s1 =	sld [smem:$0x3FB0]  }
0x28: {  	s2 =	sld [smem:$0x3FB1]  }
0x29: {  	s4 =	sld [smem:$0x3FB3]  }
0x2a: {  	p0 =	seq.s32 s5, $0x0;
	s5 =	sld [smem:$0x3FB4]  }
0x2b: {  	s6 =	sld [smem:$0x3FB5]  }
0x2c: {  	s7 =	sld [smem:$0x3FB6]  }
0x2d: {  	s3 =	simm.s32 $0x108;
	s8 =	sld [smem:$0x3FB7]  }
0x2e: {  	s3 =	simm.s32 @!p0 $0x1082;
	s9 =	sld [smem:$0x3FB8]  }
0x2f: {  	lr =	sadd.s32 s0, s3;
	s0 =	sld [smem:$0x3FAF]  }
0x30: {  	s3 =	sld [smem:$0x3FB2]  }
0x31: {  	[smem:$0x3FBB] =	sst s10  }
0x32: {  	s10 =	sld [smem:$0x3FB9];
	_ =	sdelay $0x3  }
0x33: {  	p0 =	seq.s32 s10, $0x1;
	s10 =	sld [smem:$0x3FBB];
	_ =	sdelay $0x3  }
0x34: {  	[smem:$0x3FBB] =	sst s10  }
0x35: {  	s10 =	sld [smem:$0x3FBA];
	_ =	sdelay $0x3  }
0x36: {  	p1 =	seq.s32 s10, $0x1;
	s10 =	sld [smem:$0x3FBB];
	_ =	sdelay $0x3  }
0x37: {  	[smem:$0x3FBB] =	sst s10  }
0x38: {  	s10 =	sld [smem:$0x3FBC]  }
0x39: {  	_ = 	snop;
	(pc) =	sbr.ind lr, $3  }
0x3a: {  	_ = 	snop  }
0x3b: {  	_ = 	snop  }
0x3c: {  	p2 =	seq.s32 s10, $0x1;
	s10 =	sld [smem:$0x3FBB]  }
0x3d: {  	_ =	shalt  }
0x3e: {  	_ =	shalt  }
0x3f: {  	_ =	shalt  }
0x40: {  	_ =	shalt  }
0x41: {  	_ =	shalt  }
0x42: {  	_ =	shalt  }
0x43: {  	_ =	shalt  }
0x44: {  	_ =	shalt  }
0x45: {  	_ =	shalt  }
0x46: {  	_ =	shalt  }
0x47: {  	_ =	shalt  }
0x48: {  	_ =	shalt  }
0x49: {  	_ =	shalt  }
0x4a: {  	_ =	shalt  }
0x4b: {  	_ =	shalt  }
0x4c: {  	_ =	shalt  }
0x4d: {  	_ =	shalt  }
0x4e: {  	_ =	shalt  }
0x4f: {  	_ =	shalt  }
0x50: {  	_ =	shalt  }
0x51: {  	_ =	shalt  }
0x52: {  	_ =	shalt  }
0x53: {  	_ =	shalt  }
0x54: {  	_ =	shalt  }
0x55: {  	_ =	shalt  }
0x56: {  	_ =	shalt  }
0x57: {  	_ =	shalt  }
0x58: {  	_ =	shalt  }
0x59: {  	_ =	shalt  }
0x5a: {  	_ =	shalt  }
0x5b: {  	_ =	shalt  }
0x5c: {  	_ =	shalt  }
0x5d: {  	_ =	shalt  }
0x5e: {  	_ =	shalt  }
0x5f: {  	_ =	shalt  }
0x60: {  	_ =	shalt  }
0x61: {  	_ =	shalt  }
0x62: {  	_ =	shalt  }
0x63: {  	_ =	shalt  }
0x64: {  	_ =	shalt  }
0x65: {  	_ =	shalt  }
0x66: {  	_ =	shalt  }
0x67: {  	_ =	shalt  }
0x68: {  	_ =	shalt  }
0x69: {  	_ =	shalt  }
0x6a: {  	_ =	shalt  }
0x6b: {  	_ =	shalt  }
0x6c: {  	_ =	shalt  }
0x6d: {  	_ =	shalt  }
0x6e: {  	_ =	shalt  }
0x6f: {  	_ =	shalt  }
0x70: {  	_ =	shalt  }
0x71: {  	_ =	shalt  }
0x72: {  	_ =	shalt  }
0x73: {  	_ =	shalt  }
0x74: {  	_ =	shalt  }
0x75: {  	_ =	shalt  }
0x76: {  	_ =	shalt  }
0x77: {  	_ =	shalt  }
0x78: {  	_ =	shalt  }
0x79: {  	_ =	shalt  }
0x7a: {  	_ =	shalt  }
0x7b: {  	_ =	shalt  }
0x7c: {  	_ =	shalt  }
0x7d: {  	_ =	shalt  }
0x7e: {  	_ =	shalt  }
0x7f: {  	_ =	shalt  }
0x80: {  	_ =	shalt  }
0x81: {  	_ =	shalt  }
0x82: {  	_ =	shalt  }
0x83: {  	_ =	shalt  }
0x84: {  	_ =	shalt  }
0x85: {  	_ =	shalt  }
0x86: {  	_ =	shalt  }
0x87: {  	_ =	shalt  }
.Lfunc_end0:
.L_simem_size_0:
called_computation_lowered:
.L_overlay_start_0:
0x88: {  	s2 =	sld [smem:$0x3FD9]  }
0x89: {  	s3 =	sld [smem:$0x3FFE];
	_ =	sdelay $0x1  }
0x8a: {  	s1 =	srdreg.scid  }
0x8b: {  	s0 =	sand.u32 $0x1, s1  }
0x8c: {  	s18 =	sshll.u32 s0, $0xA;
	s2 =	sadd.s32 s3, s2  }
0x8d: {  	s2 =	sadd.s32 s2, s18  }
0x8e: {  	[smem:$0x3FC7] =	sst s2  }
0x8f: {  	_ = 	snop  }
0x90: {  	s2 =	sld [smem:$0x3FC9]  }
0x91: {  	s19 =	sld [smem:$0x3FD0];
	(tm) =	ssettm $0x1  }
0x92: {  	s4 =	sld [smem:$0x3FFB];
	_ =	sdelay $0x3  }
0x93: {  	_ =	strace s4  }
0x94: {  	s4 =	sld [smem:$0x3FFC];
	_ =	sdelay $0x3  }
0x95: {  	_ =	strace s4  }
0x96: {  	s4 =	sld [smem:$0x3FFD];
	_ =	sdelay $0x3  }
0x97: {  	_ =	strace s4  }
0x98: {  	_ =	strace $0x8FFFFFFF  }
0x99: {  	s20 =	sld [smem:$0x3FDB];
	_ =	sdelay $0x1  }
0x9a: {  	s5 =	simm.s32 $_scs_section_size  }
0x9b: {  	s6 =	simm.s32 $_size__tile_overlayer_lowered;
	s7 =	simm.s32 $_tile_overlayer_lowered  }
0x9c: {  	s23 =	simm.s32 $0x1BFF;
	s22 =	sshll.u32 s7, $0x1;
	s4 =	sadd.s32 s5, s20  }
0x9d: {  	s8 =	simm.s32 $0x0;
	s21 =	sshll.u32 s6, $0x1;
	s6 =	sadd.s32 s22, s4  }
0x9e: {  	[timem:s8], [sflag:s23] =	dma.local [hbm:s6], s21  }
0x9f: {  	_ =	swait.ge [sflag:s23], s21  }
0xa0: {  	s5 =	ssub.s32 $0x0, s21;
	[sflag:s23] =	ssyncset.done $0x0  }
0xa1: {  	[sflag:s23] =	ssyncadd.s32 s5;
	_ =	sdelay $0x1  }
0xa2: {  	s24 =	simm.s32 $0x1B8B  }
0xa3: {  	_ =	swait.ge [sflag:s24], $0x1  }
0xa4: {  	[sflag:s24] =	ssyncset.done $0x0  }
0xa5: {  	s25 =	simm.s32 $0x1B8E;
	[sflag:s24] =	ssyncadd.s32 $0xFFFFFFFF  }
0xa6: {  	s26 =	simm.s32 $execute0_lowered;
	[smem:$0x3FD2] =	sst s25  }
0xa7: {  	s5 =	sshll.u32 s26, $0x1;
	_ =	strace $0x80000046;
	[dreg:$0x1] =	wrdreg $0xFFFFFFFF  }
0xa8: {  	s28 =	simm.s32 $_size_execute0_lowered;
	s4 =	sadd.s32 s4, s5;
	[dreg:$0x0] =	wrdreg $0x0  }
0xa9: {  	s5 =	sshll.u32 s28, $0x1;
	[dreg:$0x2] =	wrdreg s4  }
0xaa: {  	[dreg:$0x3] =	wrdreg s5  }
0xab: {  	[dreg:$0x4] =	wrdreg $0xC0  }
0xac: {  	_ =	task [dreg:s8], $0x5FFFF  }
0xad: {  	[dreg:$0x1] =	wrdreg $0xFFFFFFFF  }
0xae: {  	[dreg:$0x0] =	wrdreg $0x60  }
0xaf: {  	[dreg:$0x2] =	wrdreg s2  }
0xb0: {  	[dreg:$0x3] =	wrdreg s19  }
0xb1: {  	[dreg:$0x4] =	wrdreg $0x9  }
0xb2: {  	_ =	task.clear_ibuf [dreg:s8], $0x5FFFF;
	_ =	strace $0x90000046  }
0xb3: {  	s29 =	simm.s32 $0x9;
	_ =	strace $0x80000048  }
0xb4: {  	_ =	swait.ge [sflag:s29], $0x1  }
0xb5: {  	[sflag:s29] =	ssyncadd.s32 $0xFFFFFFFF  }
0xb6: {  	_ =	strace $0x90000048  }
0xb7: {  	_ =	sfence  }
0xb8: {  	s30 =	sld [smem:$0x0];
	_ =	sdelay $0x2  }
0xb9: {  	s31 =	sshll.u32 s1, $0xD;
	s1 =	sshrl.u32 s1, $0x2  }
0xba: {  	s3 =	sand.u32 $0x4000, s31;
	s1 =	sadd.s32 s1, s30  }
0xbb: {  	s0 =	sor.u32 s3, s0;
	s1 =	sshll.u32 s1, $0x11  }
0xbc: {  	s0 =	sor.u32 s1, s0  }
0xbd: {  	s0 =	sadd.s32 $0x8F2B, s0  }
0xbe: {  	[sflag:s0] =	ssyncadd.remote.s32 $0x1  }
0xbf: {  	_ =	sfence.sel $0xFFFF  }
0xc0: {  	[dreg:$0x0] =	wrdreg $0xFFFFFFFF;
	(pc) =	sbr.abs _section_cstart, $3  }
0xc1: {  	[dreg:$0x1] =	wrdreg $0xFFFFFFFF  }
0xc2: {  	_ =	task.clear_ibuf [dreg:s8], $0x2FFFF;
	_ =	strace $0x9FFFFFFF  }
0xc3: {  	(tm) =	ssettm $0x7FFFFFFF  }
tec
execute0_lowered:
.L_overlay_start_1:
0x0: {  	(tag) =	ssettag $0x1  }
0x1: {  	s1 =	rddreg [dreg:$0x0];
	v0 =	vlaneseq.u32  }
0x2: {  	s2 =	srdreg.scid;
	s0 =	stileid.u32;
	v1 =	vshrl.u32 v0, $0x1;
	v2 =	vand.u32 $0x1, v0  }
0x3: {  	s3 =	rddreg [dreg:$0x1];
	s4 =	simm.s32 $0x0;
	s13 =	simm.s32 $0x400;
	v17 =	vmul.u32 $0x80, v1;
	v59 =	vmul.u32 $0x40, v2  }
0x4: {  	s14 =	simm.s32 $0x7A1400;
	s5 =	sand.u32 $0x1, s2;
	v3 =	vmul.u32 $0x40, v0;
	[smem:$0x7FF] =	sst s4;
	v4 =	vor.u32 $0x10, v0  }
0x5: {  	s6 =	sshll.u32 s0, $0x1;
	s2 =	rddreg [dreg:$0x2];
	v6 =	vor.u32 $0x20, v0;
	v8 =	vor.u32 $0x30, v0;
	_ =	strace $0x80000047;
	v9 =	vor.u32 $0xC00, v17;
	[tilespmem:$0x1FFE0] =	vst v59  }
0x6: {  	s15 =	simm.s32 $0x2000;
	v10 =	vor.u32 $0x40, v0;
	v12 =	vor.u32 $0x50, v0;
	s9 =	sor.u32 s5, s6;
	s29 =	ssub.s32 $0x2, s5;
	v7 =	vor.u32 $0x800, v17;
	[tilespmem:$0x1FF90] =	vst v9  }
0x7: {  	s16 =	simm.s32 $0x0;
	v14 =	vor.u32 $0x60, v0;
	v16 =	vor.u32 $0x70, v0;
	s30 =	ssub.s32 $0x1E83, s9;
	s7 =	sshrl.u32 s29, $0x1;
	v51 =	vor.u32 $0x1C00, v17;
	[tilespmem:$0x1FFA0] =	vst v7  }
0x8: {  	v1 =	vor.u32 $0xFFFFFFC0, v0;
	s31 =	sshll.u32 s9, $0x7;
	v18 =	vor.u32 $0x400, v3;
	s5 =	sshrl.u32 s30, $0x5;
	s12 =	ssub.s32 s29, s7;
	v11 =	vor.u32 $0x1000, v17;
	[tilespmem:$0x1FFB0] =	vst v51  }
0x9: {  	v19 =	vor.u32 $0x800, v3;
	v20 =	vor.u32 $0xC00, v3;
	s6 =	sadd.s32 s1, s31;
	s7 =	sshll.u32 s9, $0xA;
	v15 =	vor.u32 $0x1800, v17;
	s11 =	sand.u32 $0x1, s5;
	[tilespmem:$0x1FFC0] =	vst v11  }
0xa: {  	v21 =	vor.u32 $0x1000, v3;
	v22 =	vor.u32 $0x1400, v3;
	v5 =	vor.u32 $0x400, v17;
	s9 =	sshll.u32 s9, $0xD;
	s8 =	sadd.s32 $0x1000, s6;
	[tilespmem:$0x1FFD0] =	vst v15;
	s10 =	sxor.u32 $0x1, s11  }
0xb: {  	v23 =	vor.u32 $0x1800, v3;
	v24 =	vor.u32 $0x1C00, v3;
	v13 =	vor.u32 $0x1400, v17;
	s12 =	smax.u32 s12, $0x1;
	[tilespmem:$0x1FFF0] =	vst v5;
	s11 =	sadd.s32 $0x3, s11;
	s10 =	sadd.s32 $0x3, s10  }
.LBB2_1:
0xc: {  	[tilespmem:s4], [sflag:$0x1] =	stream.strided.gather [hbm4b:s6+s13], $0x2000, s14, s13, $0x38;
	[tilespmem:$0x8000] =	vst v63  }
0xd: {  	s17 =	simm.s32 $0x0  }
0xe: {  	[tilespmem:s15], [sflag:$0x2] =	stream.strided.gather [hbm4b:s8+s13], $0x2000, s14, s13, $0x38;
	[tilespmem:$0x8000] =	vst v63  }
.LBB2_2:
0xf: {  	s18 =	simm.s32 $0x0;
	s20 =	simm.s32 $0x2  }
0x10: {  	s21 =	simm.s32 $0x1;
	s22 =	simm.s32 $0x3;
	v25 =	vadd.s32 s18, v0;
	v26 =	vadd.s32 s18, v1;
	v27 =	vadd.s32 s20, v0  }
0x11: {  	v28 =	vadd.s32 s20, v1;
	v29 =	vadd.s32 s21, v0;
	v30 =	vadd.s32 s22, v0  }
0x12: {  	s19 =	sand.u32 $0x1, s17;
	vm0 =	vgt.u32 v25, $0x3F;
	vm1 =	vgt.u32 v27, $0x3F;
	vm11 =	vgt.u32 v30, $0x3F  }
0x13: {  	s18 =	sadd.s32 $0x1, s19;
	vm2 =	vgt.u32 v29, $0x3F;
	v45 =	vsel vm1, v28, v27;
	v27 =	vadd.s32 s22, v1  }
0x14: {  	_ =	swait.ge [sflag:s18], $0x2000;
	v28 =	vsel vm0, v26, v25;
	v25 =	vadd.s32 s21, v1;
	v2 =	vshll.u32 v45, $0x7  }
0x15: {  	p0 =	slt.u32 s17, $0x2;
	[sflag:s18] =	ssyncset.done $0x0;
	v46 =	vsel vm11, v27, v30;
	v47 =	vshll.u32 v28, $0x7;
	v27 =	vor.u32 v0, v2  }
0x16: {  	s22 =	sadd.s32 @!p0 $0x3, s19;
	[sflag:s18] =	ssyncadd.s32 $0xFFFFE000;
	v43 =	vsel vm2, v25, v29;
	v26 =	vshll.u32 v46, $0x7;
	v30 =	vor.u32 v0, v47  }
0x17: {  	_ =	swait.ge @!p0 [sflag:s22], $0x2000;
	v25 =	vshll.u32 v43, $0x7;
	v29 =	vor.u32 v0, v26  }
0x18: {  	[sflag:s22] =	ssyncset.done @!p0 $0x0;
	v31 =	vor.u32 v0, v25  }
0x19: {  	s20 =	sshll.u32 s19, $0xD;
	[sflag:s22] =	ssyncadd.s32 @!p0 $0xFFFFE000  }
0x1a: {  	v32 =	vadd.s32 v3, v45;
	v27 =	vld.idx.msk [tilespmem:v27+s20+$0x0], $0xffff  }
0x1b: {  	v35 =	vadd.s32 v3, v28;
	v30 =	vld.idx.msk [tilespmem:v30+s20+$0x0], $0xffff  }
0x1c: {  	v33 =	vor.u32 v4, v2;
	v34 =	vadd.s32 v3, v46;
	v29 =	vld.idx.msk [tilespmem:v29+s20+$0x0], $0xffff  }
0x1d: {  	v37 =	vadd.s32 v3, v43;
	v38 =	vor.u32 v4, v47;
	v31 =	vld.idx.msk [tilespmem:v31+s20+$0x0], $0xffff  }
0x1e: {  	s21 =	sor.u32 $0x4000, s20;
	v36 =	vor.u32 v4, v26  }
0x1f: {  	[tilespmem:v32+s21+$0x0] =	vst.idx.msk $0xffff, v27  }
0x20: {  	v39 =	vor.u32 v4, v25;
	[tilespmem:v35+s21+$0x0] =	vst.idx.msk $0xffff, v30  }
0x21: {  	v62 =	vadd.s32 v18, v45;
	v40 =	vadd.s32 v59, v28;
	v32 =	vld.idx.msk [tilespmem:v33+s20+$0x0], $0xffff;
	[tilespmem:v34+s21+$0x0] =	vst.idx.msk $0xffff, v29  }
0x22: {  	v28 =	vor.u32 v6, v2;
	v53 =	vadd.s32 v5, v40;
	[tilespmem:v37+s21+$0x0] =	vst.idx.msk $0xffff, v31;
	v31 =	vld.idx.msk [tilespmem:v38+s20+$0x0], $0xffff  }
0x23: {  	v63 =	vadd.s32 v18, v46;
	v54 =	vor.u32 v6, v47;
	v29 =	vld.idx.msk [tilespmem:v36+s20+$0x0], $0xffff  }
0x24: {  	v57 =	vadd.s32 v19, v45;
	v52 =	vor.u32 v6, v26  }
0x25: {  	v48 =	vadd.s32 v21, v45;
	v56 =	vadd.s32 v18, v43;
	v42 =	vadd.s32 v20, v43;
	v55 =	vld.idx.msk [tilespmem:v39+s20+$0x0], $0xffff  }
0x26: {  	v58 =	vor.u32 v8, v2;
	v41 =	vor.u32 v6, v25;
	[tilespmem:v62+s21+$0x0] =	vst.idx.msk $0xffff, v32  }
0x27: {  	v61 =	vadd.s32 v7, v40;
	v50 =	vor.u32 v8, v47;
	[tilespmem:v53+s21+$0x0] =	vst.idx.msk $0xffff, v31;
	v28 =	vld.idx.msk [tilespmem:v28+s20+$0x0], $0xffff  }
0x28: {  	v44 =	vadd.s32 v20, v46;
	v60 =	vor.u32 v10, v2;
	[tilespmem:v63+s21+$0x0] =	vst.idx.msk $0xffff, v29;
	v35 =	vld.idx.msk [tilespmem:v54+s20+$0x0], $0xffff  }
0x29: {  	v49 =	vor.u32 v10, v25;
	v27 =	vadd.s32 v15, v40;
	v31 =	vadd.s32 v19, v46;
	v34 =	vld.idx.msk [tilespmem:v52+s20+$0x0], $0xffff  }
0x2a: {  	v30 =	vadd.s32 v23, v43;
	v62 =	vor.u32 v8, v26;
	[tilespmem:v56+s21+$0x0] =	vst.idx.msk $0xffff, v55  }
0x2b: {  	s23 =	simm.s32 $0x6;
	v39 =	vor.u32 v10, v26;
	v53 =	vor.u32 v8, v25;
	v63 =	vadd.s32 v19, v43;
	v41 =	vld.idx.msk [tilespmem:v41+s20+$0x0], $0xffff  }
0x2c: {  	s30 =	simm.s32 $0x4;
	v29 =	vor.u32 v10, v47;
	v55 =	vadd.s32 v20, v45;
	v56 =	vadd.s32 s23, v0;
	[tilespmem:v57+s21+$0x0] =	vst.idx.msk $0xffff, v28  }
0x2d: {  	s31 =	simm.s32 $0x5;
	v54 =	vadd.s32 s30, v1;
	v52 =	vadd.s32 v9, v40;
	vm14 =	vgt.u32 v56, $0x3F;
	[tilespmem:v61+s21+$0x0] =	vst.idx.msk $0xffff, v35;
	v33 =	vld.idx.msk [tilespmem:v58+s20+$0x0], $0xffff  }
0x2e: {  	s24 =	simm.s32 $0x7;
	v9 =	vor.u32 v14, v25;
	v28 =	vadd.s32 s30, v0;
	[tilespmem:v31+s21+$0x0] =	vst.idx.msk $0xffff, v34;
	v31 =	vadd.s32 s31, v0;
	v50 =	vld.idx.msk [tilespmem:v50+s20+$0x0], $0xffff  }
0x2f: {  	v57 =	vadd.s32 s24, v1;
	vm12 =	vgt.u32 v28, $0x3F;
	vm13 =	vgt.u32 v31, $0x3F;
	v61 =	vld.idx.msk [tilespmem:v62+s20+$0x0], $0xffff  }
0x30: {  	[tilespmem:v63+s21+$0x0] =	vst.idx.msk $0xffff, v41;
	v62 =	vadd.s32 s31, v1;
	v54 =	vsel vm12, v54, v28;
	v28 =	vadd.s32 s23, v1  }
0x31: {  	v53 =	vld.idx.msk [tilespmem:v53+s20+$0x0], $0xffff;
	v34 =	vsel vm13, v62, v31;
	v31 =	vadd.s32 s24, v0;
	v35 =	vsel vm14, v28, v56  }
0x32: {  	v38 =	vshll.u32 v34, $0x7;
	vm15 =	vgt.u32 v31, $0x3F;
	v41 =	vshll.u32 v35, $0x7;
	[tilespmem:v55+s21+$0x0] =	vst.idx.msk $0xffff, v33  }
0x33: {  	v63 =	vor.u32 v0, v38;
	v28 =	vsel vm15, v57, v31;
	[tilespmem:v52+s21+$0x0] =	vst.idx.msk $0xffff, v50;
	v32 =	vld.idx.msk [tilespmem:v60+s20+$0x0], $0xffff  }
0x34: {  	v36 =	vor.u32 v0, v41;
	v57 =	vadd.s32 v11, v40;
	[tilespmem:v44+s21+$0x0] =	vst.idx.msk $0xffff, v61;
	v44 =	vld.idx.msk [tilespmem:v29+s20+$0x0], $0xffff  }
0x35: {  	v56 =	vor.u32 v12, v26;
	v50 =	vadd.s32 v21, v46;
	v52 =	vor.u32 v12, v2;
	v39 =	vld.idx.msk [tilespmem:v39+s20+$0x0], $0xffff  }
0x36: {  	v37 =	vshll.u32 v54, $0x7;
	v62 =	vor.u32 v14, v26;
	v58 =	vadd.s32 v3, v34;
	[tilespmem:v42+s21+$0x0] =	vst.idx.msk $0xffff, v53  }
0x37: {  	v31 =	vadd.s32 v59, v54;
	v55 =	vor.u32 v0, v37;
	v60 =	vadd.s32 v21, v43;
	v49 =	vld.idx.msk [tilespmem:v49+s20+$0x0], $0xffff  }
0x38: {  	v54 =	vadd.s32 v3, v54;
	v33 =	vshll.u32 v28, $0x7;
	v53 =	vld.idx.msk [tilespmem:v63+s20+$0x0], $0xffff;
	[tilespmem:v48+s21+$0x0] =	vst.idx.msk $0xffff, v32  }
0x39: {  	v59 =	vor.u32 v0, v33;
	v42 =	vor.u32 v6, v37;
	v36 =	vld.idx.msk [tilespmem:v36+s20+$0x0], $0xffff;
	[tilespmem:v57+s21+$0x0] =	vst.idx.msk $0xffff, v44  }
0x3a: {  	v61 =	vadd.s32 v22, v45;
	v44 =	vor.u32 v12, v25;
	[tilespmem:v50+s21+$0x0] =	vst.idx.msk $0xffff, v39;
	v52 =	vld.idx.msk [tilespmem:v52+s20+$0x0], $0xffff  }
0x3b: {  	v29 =	vadd.s32 v15, v31;
	v57 =	vadd.s32 v22, v46;
	v50 =	vor.u32 v12, v47;
	v56 =	vld.idx.msk [tilespmem:v56+s20+$0x0], $0xffff  }
0x3c: {  	v48 =	vadd.s32 v3, v35;
	[tilespmem:v60+s21+$0x0] =	vst.idx.msk $0xffff, v49;
	v60 =	vld.idx.msk [tilespmem:v55+s20+$0x0], $0xffff;
	v55 =	vor.u32 v14, v2  }
0x3d: {  	v17 =	vmov v13;
	v32 =	vadd.s32 v23, v34;
	[tilespmem:v58+s21+$0x0] =	vst.idx.msk $0xffff, v53;
	v53 =	vor.u32 v4, v41  }
0x3e: {  	v39 =	vadd.s32 v24, v43;
	v49 =	vadd.s32 v13, v40;
	v58 =	vld.idx.msk [tilespmem:v59+s20+$0x0], $0xffff;
	v59 =	vadd.s32 v3, v28  }
0x3f: {  	v40 =	vadd.s32 v51, v40;
	v11 =	vld.idx.msk [tilespmem:v44+s20+$0x0], $0xffff;
	[tilespmem:v61+s21+$0x0] =	vst.idx.msk $0xffff, v52;
	v61 =	vor.u32 v4, v33  }
0x40: {  	v44 =	vadd.s32 v22, v43;
	v63 =	vld.idx.msk [tilespmem:v50+s20+$0x0], $0xffff;
	[tilespmem:v57+s21+$0x0] =	vst.idx.msk $0xffff, v56;
	v56 =	vor.u32 v4, v38  }
0x41: {  	v51 =	vor.u32 v4, v37;
	v13 =	vadd.s32 v18, v35;
	[tilespmem:v48+s21+$0x0] =	vst.idx.msk $0xffff, v36;
	v52 =	vld.idx.msk [tilespmem:v55+s20+$0x0], $0xffff  }
0x42: {  	v36 =	vadd.s32 v24, v46;
	v43 =	vadd.s32 v24, v45;
	[tilespmem:v54+s21+$0x0] =	vst.idx.msk $0xffff, v60;
	v7 =	vld.idx.msk [tilespmem:v53+s20+$0x0], $0xffff  }
0x43: {  	v48 =	vadd.s32 v23, v45;
	v60 =	vor.u32 v6, v41;
	[tilespmem:v59+s21+$0x0] =	vst.idx.msk $0xffff, v58;
	v50 =	vld.idx.msk [tilespmem:v62+s20+$0x0], $0xffff  }
0x44: {  	v54 =	vadd.s32 v23, v46;
	v46 =	vor.u32 v16, v47;
	v53 =	vor.u32 v16, v2;
	v55 =	vld.idx.msk [tilespmem:v61+s20+$0x0], $0xffff  }
0x45: {  	v58 =	vadd.s32 v18, v28;
	v62 =	vadd.s32 v18, v34;
	[tilespmem:v44+s21+$0x0] =	vst.idx.msk $0xffff, v11;
	v57 =	vld.idx.msk [tilespmem:v56+s20+$0x0], $0xffff  }
0x46: {  	v59 =	vor.u32 v6, v33;
	[tilespmem:v49+s21+$0x0] =	vst.idx.msk $0xffff, v63;
	v49 =	vor.u32 v14, v47;
	v56 =	vld.idx.msk [tilespmem:v51+s20+$0x0], $0xffff  }
0x47: {  	s22 =	simm.s32 $0x8;
	v61 =	vadd.s32 v5, v31;
	v63 =	vor.u32 v6, v38;
	v51 =	vld.idx.msk [tilespmem:v9+s20+$0x0], $0xffff;
	[tilespmem:v13+s21+$0x0] =	vst.idx.msk $0xffff, v7  }
.LBB2_3:
0x48: {  	_ =	sdelay $0x1  }
0x49: {  	v60 =	vld.idx.msk [tilespmem:v60+s20+$0x0], $0xffff  }
0x4a: {  	v44 =	vmov v37;
	v37 =	vld.idx.msk [tilespmem:v49+s20+$0x0], $0xffff;
	[tilespmem:v48+s21+$0x0] =	vst.idx.msk $0xffff, v52;
	v48 =	vmov v35  }
0x4b: {  	v47 =	vmov v34;
	v5 =	vld [tilespmem:$0x1FFA0];
	[tilespmem:v62+s21+$0x0] =	vst.idx.msk $0xffff, v57;
	v34 =	vadd.s32 v19, v48  }
0x4c: {  	[tilespmem:v54+s21+$0x0] =	vst.idx.msk $0xffff, v50;
	v54 =	vld.idx.msk [tilespmem:v63+s20+$0x0], $0xffff  }
0x4d: {  	v2 =	vor.u32 v16, v25;
	[tilespmem:v61+s21+$0x0] =	vst.idx.msk $0xffff, v56;
	v35 =	vld.idx.msk [tilespmem:v53+s20+$0x0], $0xffff  }
0x4e: {  	v26 =	vor.u32 v16, v26;
	[tilespmem:v58+s21+$0x0] =	vst.idx.msk $0xffff, v55;
	v42 =	vld.idx.msk [tilespmem:v42+s20+$0x0], $0xffff  }
0x4f: {  	v45 =	vmov v41;
	[tilespmem:v30+s21+$0x0] =	vst.idx.msk $0xffff, v51;
	v55 =	vadd.s32 v19, v28;
	v41 =	vld.idx.msk [tilespmem:v59+s20+$0x0], $0xffff  }
0x50: {  	v30 =	vadd.s32 v5, v31;
	v5 =	vld [tilespmem:$0x1FF90];
	[tilespmem:v34+s21+$0x0] =	vst.idx.msk $0xffff, v60;
	v34 =	vor.u32 v8, v33;
	_ =	sdelay $0x1  }
0x51: {  	s23 =	smov.u32 s22;
	v2 =	vld.idx.msk [tilespmem:v2+s20+$0x0], $0xffff;
	[tilespmem:v27+s21+$0x0] =	vst.idx.msk $0xffff, v37  }
0x52: {  	s24 =	sadd.s32 $0x1, s23;
	v62 =	vor.u32 v8, v45;
	v46 =	vld.idx.msk [tilespmem:v46+s20+$0x0], $0xffff;
	[tilespmem:v43+s21+$0x0] =	vst.idx.msk $0xffff, v35  }
0x53: {  	v25 =	vmov v38;
	v38 =	vadd.s32 s24, v0;
	v57 =	vadd.s32 v19, v47;
	v35 =	vld.idx.msk [tilespmem:v26+s20+$0x0], $0xffff;
	[tilespmem:v55+s21+$0x0] =	vst.idx.msk $0xffff, v41  }
0x54: {  	vm1 =	vgt.u32 v38, $0x3F;
	v59 =	vadd.s32 v5, v31;
	[tilespmem:v30+s21+$0x0] =	vst.idx.msk $0xffff, v42;
	v5 =	vadd.s32 s24, v1;
	v42 =	vld.idx.msk [tilespmem:v34+s20+$0x0], $0xffff  }
0x55: {  	v34 =	vsel vm1, v5, v38;
	v5 =	vld [tilespmem:$0x1FFE0]  }
0x56: {  	v49 =	vor.u32 v10, v44;
	v50 =	vadd.s32 v20, v47;
	v51 =	vor.u32 v8, v44  }
0x57: {  	v27 =	vadd.s32 s23, v0;
	v43 =	vor.u32 v8, v25;
	v60 =	vld.idx.msk [tilespmem:v62+s20+$0x0], $0xffff;
	v62 =	vadd.s32 v20, v48  }
0x58: {  	s25 =	sadd.s32 $0x2, s23;
	v61 =	vor.u32 v10, v45;
	v37 =	vadd.s32 s23, v1;
	vm0 =	vgt.u32 v27, $0x3F  }
0x59: {  	v56 =	vor.u32 v10, v33;
	v63 =	vadd.s32 s25, v0;
	[tilespmem:v57+s21+$0x0] =	vst.idx.msk $0xffff, v54;
	v57 =	vsel vm0, v37, v27  }
0x5a: {  	v58 =	vadd.s32 v20, v28;
	[tilespmem:v39+s21+$0x0] =	vst.idx.msk $0xffff, v2;
	v55 =	vmov v31;
	v31 =	vadd.s32 v5, v57;
	v5 =	vld [tilespmem:$0x1FFD0]  }
0x5b: {  	v52 =	vadd.s32 v21, v48;
	s23 =	sadd.s32 $0x3, s23;
	vm2 =	vgt.u32 v63, $0x3F;
	v30 =	vadd.s32 s25, v1;
	v51 =	vld.idx.msk [tilespmem:v51+s20+$0x0], $0xffff;
	[tilespmem:v36+s21+$0x0] =	vst.idx.msk $0xffff, v35  }
0x5c: {  	v2 =	vadd.s32 s23, v0;
	v39 =	vld.idx.msk [tilespmem:v43+s20+$0x0], $0xffff;
	v35 =	vsel vm2, v30, v63;
	[tilespmem:v62+s21+$0x0] =	vst.idx.msk $0xffff, v60  }
0x5d: {  	v54 =	vmovc v28;
	v28 =	vadd.s32 s23, v1;
	v27 =	vmovc v29;
	vm15 =	vgt.u32 v2, $0x3F;
	v41 =	vshll.u32 v35, $0x7;
	v43 =	vld.idx.msk [tilespmem:v61+s20+$0x0], $0xffff  }
0x5e: {  	v37 =	vshll.u32 v57, $0x7;
	[tilespmem:v40+s21+$0x0] =	vst.idx.msk $0xffff, v46;
	v28 =	vsel vm15, v28, v2;
	v40 =	vor.u32 v0, v41  }
0x5f: {  	v2 =	vor.u32 v0, v37;
	v38 =	vshll.u32 v34, $0x7;
	[tilespmem:v58+s21+$0x0] =	vst.idx.msk $0xffff, v42;
	v29 =	vadd.s32 v5, v31;
	v5 =	vld [tilespmem:$0x1FFC0]  }
0x60: {  	[tilespmem:v59+s21+$0x0] =	vst.idx.msk $0xffff, v51;
	v63 =	vor.u32 v0, v38;
	v51 =	vld.idx.msk [tilespmem:v56+s20+$0x0], $0xffff;
	v56 =	vadd.s32 v21, v54  }
0x61: {  	v13 =	vld [tilespmem:$0x1FFB0];
	v11 =	vor.u32 v12, v25;
	[tilespmem:v50+s21+$0x0] =	vst.idx.msk $0xffff, v39;
	v50 =	vor.u32 v12, v45  }
0x62: {  	v53 =	vor.u32 v10, v25;
	v26 =	vmov v33;
	v33 =	vshll.u32 v28, $0x7;
	v49 =	vld.idx.msk [tilespmem:v49+s20+$0x0], $0xffff;
	[tilespmem:v52+s21+$0x0] =	vst.idx.msk $0xffff, v43  }
0x63: {  	v15 =	vor.u32 v14, v25;
	v46 =	vor.u32 v0, v33;
	v9 =	vadd.s32 v3, v35;
	v52 =	vld.idx.msk [tilespmem:v40+s20+$0x0], $0xffff  }
0x64: {  	v7 =	vadd.s32 v22, v48;
	v60 =	vor.u32 v12, v26;
	v2 =	vld.idx.msk [tilespmem:v2+s20+$0x0], $0xffff;
	v59 =	vadd.s32 v5, v55  }
0x65: {  	v61 =	vadd.s32 v3, v34;
	v58 =	vld.idx.msk [tilespmem:v63+s20+$0x0], $0xffff;
	[tilespmem:v56+s21+$0x0] =	vst.idx.msk $0xffff, v51;
	v51 =	vor.u32 v4, v41  }
0x66: {  	v30 =	vmov v32;
	v32 =	vadd.s32 v23, v34;
	v62 =	vor.u32 v12, v44;
	v50 =	vld.idx.msk [tilespmem:v50+s20+$0x0], $0xffff  }
0x67: {  	v36 =	vadd.s32 v24, v54;
	v53 =	vld.idx.msk [tilespmem:v53+s20+$0x0], $0xffff;
	v56 =	vor.u32 v14, v45;
	v5 =	vadd.s32 v21, v47  }
0x68: {  	v57 =	vadd.s32 v3, v57;
	v39 =	vadd.s32 v24, v47;
	v46 =	vld.idx.msk [tilespmem:v46+s20+$0x0], $0xffff;
	[tilespmem:v9+s21+$0x0] =	vst.idx.msk $0xffff, v52  }
0x69: {  	v63 =	vor.u32 v4, v38;
	[tilespmem:v59+s21+$0x0] =	vst.idx.msk $0xffff, v49;
	v49 =	vld.idx.msk [tilespmem:v60+s20+$0x0], $0xffff;
	v59 =	vadd.s32 v22, v54  }
0x6a: {  	v40 =	vadd.s32 v13, v55;
	[tilespmem:v61+s21+$0x0] =	vst.idx.msk $0xffff, v58;
	v58 =	vadd.s32 v3, v28;
	v51 =	vld.idx.msk [tilespmem:v51+s20+$0x0], $0xffff  }
0x6b: {  	[tilespmem:v7+s21+$0x0] =	vst.idx.msk $0xffff, v50;
	v7 =	vadd.s32 v18, v35;
	v61 =	vld.idx.msk [tilespmem:v62+s20+$0x0], $0xffff;
	v62 =	vor.u32 v14, v26  }
0x6c: {  	v13 =	vor.u32 v4, v33;
	v52 =	vld.idx.msk [tilespmem:v56+s20+$0x0], $0xffff;
	[tilespmem:v5+s21+$0x0] =	vst.idx.msk $0xffff, v53;
	v5 =	vadd.s32 v17, v55  }
0x6d: {  	v47 =	vadd.s32 v22, v47;
	v9 =	vld.idx.msk [tilespmem:v11+s20+$0x0], $0xffff;
	v11 =	vor.u32 v4, v37;
	[tilespmem:v57+s21+$0x0] =	vst.idx.msk $0xffff, v2  }
0x6e: {  	p0 =	slt.u32 s22, $0x3C;
	v42 =	vor.u32 v6, v37;
	v43 =	vadd.s32 v24, v48;
	v2 =	vld [tilespmem:$0x1FFF0];
	[tilespmem:v59+s21+$0x0] =	vst.idx.msk $0xffff, v49  }
.Ltmp0:
0x6f: {  	v48 =	vadd.s32 v23, v48;
	v60 =	vor.u32 v6, v41;
	v57 =	vld.idx.msk [tilespmem:v63+s20+$0x0], $0xffff;
	[tilespmem:v58+s21+$0x0] =	vst.idx.msk $0xffff, v46;
	(pc) =	sbr.rel @p0 .LBB2_3-.Ltmp0, $4  }
0x70: {  	v53 =	vor.u32 v16, v45;
	v54 =	vadd.s32 v23, v54;
	[tilespmem:v7+s21+$0x0] =	vst.idx.msk $0xffff, v51;
	v50 =	vld.idx.msk [tilespmem:v62+s20+$0x0], $0xffff  }
0x71: {  	v63 =	vor.u32 v6, v38;
	v49 =	vor.u32 v14, v44;
	[tilespmem:v5+s21+$0x0] =	vst.idx.msk $0xffff, v61;
	v55 =	vld.idx.msk [tilespmem:v13+s20+$0x0], $0xffff  }
0x72: {  	v59 =	vor.u32 v6, v33;
	v58 =	vadd.s32 v18, v28;
	[tilespmem:v47+s21+$0x0] =	vst.idx.msk $0xffff, v9;
	v56 =	vld.idx.msk [tilespmem:v11+s20+$0x0], $0xffff  }
0x73: {  	s22 =	sadd.s32 $0x4, s22;
	v46 =	vor.u32 v16, v44;
	v61 =	vadd.s32 v2, v31;
	v62 =	vadd.s32 v18, v34;
	v51 =	vld.idx.msk [tilespmem:v15+s20+$0x0], $0xffff  }
0x74: {  	_ =	sdelay $0x3  }
0x75: {  	[tilespmem:v62+s21+$0x0] =	vst.idx.msk $0xffff, v57  }
0x76: {  	[tilespmem:v58+s21+$0x0] =	vst.idx.msk $0xffff, v55  }
0x77: {  	[tilespmem:v61+s21+$0x0] =	vst.idx.msk $0xffff, v56  }
0x78: {  	v57 =	vld [tilespmem:$0x1FFA0];
	_ =	sdelay $0x1  }
0x79: {  	v2 =	vld.idx.msk [tilespmem:v60+s20+$0x0], $0xffff;
	v5 =	vadd.s32 v19, v35  }
0x7a: {  	v11 =	vadd.s32 v19, v34;
	v9 =	vld.idx.msk [tilespmem:v63+s20+$0x0], $0xffff  }
0x7b: {  	v15 =	vadd.s32 v19, v28;
	v13 =	vld.idx.msk [tilespmem:v59+s20+$0x0], $0xffff  }
0x7c: {  	v42 =	vld.idx.msk [tilespmem:v42+s20+$0x0], $0xffff;
	v45 =	vadd.s32 v57, v31;
	_ =	sdelay $0x1  }
0x7d: {  	v7 =	vor.u32 v8, v41;
	[tilespmem:v5+s21+$0x0] =	vst.idx.msk $0xffff, v2  }
0x7e: {  	v44 =	vor.u32 v8, v38;
	[tilespmem:v11+s21+$0x0] =	vst.idx.msk $0xffff, v9  }
0x7f: {  	v47 =	vor.u32 v8, v33;
	[tilespmem:v15+s21+$0x0] =	vst.idx.msk $0xffff, v13  }
0x80: {  	[tilespmem:v45+s21+$0x0] =	vst.idx.msk $0xffff, v42  }
0x81: {  	v63 =	vor.u32 v8, v37;
	v56 =	vld [tilespmem:$0x1FF90]  }
0x82: {  	v5 =	vadd.s32 v20, v35;
	v2 =	vld.idx.msk [tilespmem:v7+s20+$0x0], $0xffff  }
0x83: {  	v7 =	vadd.s32 v20, v34;
	v11 =	vld.idx.msk [tilespmem:v44+s20+$0x0], $0xffff  }
0x84: {  	v15 =	vadd.s32 v20, v28;
	v60 =	vld.idx.msk [tilespmem:v47+s20+$0x0], $0xffff;
	_ =	sdelay $0x1  }
0x85: {  	v63 =	vld.idx.msk [tilespmem:v63+s20+$0x0], $0xffff;
	v62 =	vadd.s32 v56, v31  }
0x86: {  	[tilespmem:v5+s21+$0x0] =	vst.idx.msk $0xffff, v2  }
0x87: {  	v9 =	vor.u32 v10, v41;
	[tilespmem:v7+s21+$0x0] =	vst.idx.msk $0xffff, v11  }
0x88: {  	v13 =	vor.u32 v10, v38;
	[tilespmem:v15+s21+$0x0] =	vst.idx.msk $0xffff, v60  }
0x89: {  	v61 =	vor.u32 v10, v33;
	[tilespmem:v48+s21+$0x0] =	vst.idx.msk $0xffff, v52  }
0x8a: {  	[tilespmem:v62+s21+$0x0] =	vst.idx.msk $0xffff, v63  }
0x8b: {  	v58 =	vor.u32 v10, v37;
	v52 =	vld [tilespmem:$0x1FFC0]  }
0x8c: {  	v2 =	vadd.s32 v21, v35;
	v5 =	vld.idx.msk [tilespmem:v9+s20+$0x0], $0xffff  }
0x8d: {  	v7 =	vor.u32 v12, v41;
	v11 =	vadd.s32 v21, v34;
	v9 =	vld.idx.msk [tilespmem:v13+s20+$0x0], $0xffff  }
0x8e: {  	v59 =	vor.u32 v12, v38;
	v15 =	vadd.s32 v21, v28;
	v13 =	vld.idx.msk [tilespmem:v61+s20+$0x0], $0xffff  }
0x8f: {  	v26 =	vor.u32 v16, v26  }
0x90: {  	v62 =	vor.u32 v12, v33;
	v60 =	vld.idx.msk [tilespmem:v58+s20+$0x0], $0xffff;
	[tilespmem:v54+s21+$0x0] =	vst.idx.msk $0xffff, v50;
	v61 =	vadd.s32 v52, v31  }
0x91: {  	v63 =	vor.u32 v12, v37;
	v54 =	vld.idx.msk [tilespmem:v53+s20+$0x0], $0xffff;
	[tilespmem:v2+s21+$0x0] =	vst.idx.msk $0xffff, v5  }
0x92: {  	v2 =	vor.u32 v16, v25;
	v5 =	vadd.s32 v22, v35;
	[tilespmem:v11+s21+$0x0] =	vst.idx.msk $0xffff, v9;
	v7 =	vld.idx.msk [tilespmem:v7+s20+$0x0], $0xffff  }
0x93: {  	[tilespmem:v15+s21+$0x0] =	vst.idx.msk $0xffff, v13;
	v9 =	vor.u32 v14, v41;
	v13 =	vadd.s32 v22, v34;
	v11 =	vld.idx.msk [tilespmem:v59+s20+$0x0], $0xffff  }
0x94: {  	v55 =	vor.u32 v14, v38;
	[tilespmem:v30+s21+$0x0] =	vst.idx.msk $0xffff, v51;
	v26 =	vld.idx.msk [tilespmem:v26+s20+$0x0], $0xffff  }
0x95: {  	v25 =	vadd.s32 v22, v28;
	v15 =	vld.idx.msk [tilespmem:v62+s20+$0x0], $0xffff;
	[tilespmem:v61+s21+$0x0] =	vst.idx.msk $0xffff, v60  }
0x96: {  	v59 =	vor.u32 v14, v33;
	[tilespmem:v43+s21+$0x0] =	vst.idx.msk $0xffff, v54;
	v60 =	vadd.s32 v17, v31;
	v58 =	vld.idx.msk [tilespmem:v63+s20+$0x0], $0xffff  }
0x97: {  	v62 =	vor.u32 v14, v37;
	v2 =	vld.idx.msk [tilespmem:v2+s20+$0x0], $0xffff;
	[tilespmem:v5+s21+$0x0] =	vst.idx.msk $0xffff, v7  }
0x98: {  	v5 =	vadd.s32 v23, v35;
	[tilespmem:v13+s21+$0x0] =	vst.idx.msk $0xffff, v11;
	v7 =	vld.idx.msk [tilespmem:v9+s20+$0x0], $0xffff  }
0x99: {  	[tilespmem:v36+s21+$0x0] =	vst.idx.msk $0xffff, v26;
	v11 =	vld.idx.msk [tilespmem:v55+s20+$0x0], $0xffff  }
0x9a: {  	[tilespmem:v25+s21+$0x0] =	vst.idx.msk $0xffff, v15;
	v61 =	vld.idx.msk [tilespmem:v49+s20+$0x0], $0xffff  }
0x9b: {  	v15 =	vadd.s32 v23, v28;
	v13 =	vld.idx.msk [tilespmem:v59+s20+$0x0], $0xffff;
	[tilespmem:v60+s21+$0x0] =	vst.idx.msk $0xffff, v58  }
0x9c: {  	[tilespmem:v39+s21+$0x0] =	vst.idx.msk $0xffff, v2;
	v30 =	vld.idx.msk [tilespmem:v62+s20+$0x0], $0xffff  }
0x9d: {  	[tilespmem:v5+s21+$0x0] =	vst.idx.msk $0xffff, v7  }
0x9e: {  	[tilespmem:v32+s21+$0x0] =	vst.idx.msk $0xffff, v11  }
0x9f: {  	v9 =	vor.u32 v16, v41;
	[tilespmem:v27+s21+$0x0] =	vst.idx.msk $0xffff, v61  }
0xa0: {  	v25 =	vor.u32 v16, v38;
	[tilespmem:v15+s21+$0x0] =	vst.idx.msk $0xffff, v13  }
0xa1: {  	v27 =	vor.u32 v16, v33;
	[tilespmem:v29+s21+$0x0] =	vst.idx.msk $0xffff, v30  }
0xa2: {  	v2 =	vor.u32 v16, v37;
	v51 =	vld [tilespmem:$0x1FFB0]  }
0xa3: {  	v63 =	vld.idx.msk [tilespmem:v46+s20+$0x0], $0xffff  }
0xa4: {  	v5 =	vadd.s32 v24, v35;
	v7 =	vld.idx.msk [tilespmem:v9+s20+$0x0], $0xffff  }
0xa5: {  	v9 =	vadd.s32 v24, v34;
	v11 =	vld.idx.msk [tilespmem:v25+s20+$0x0], $0xffff  }
0xa6: {  	v13 =	vadd.s32 v24, v28;
	v15 =	vld.idx.msk [tilespmem:v27+s20+$0x0], $0xffff  }
0xa7: {  	v2 =	vld.idx.msk [tilespmem:v2+s20+$0x0], $0xffff;
	v25 =	vadd.s32 v51, v31  }
0xa8: {  	[tilespmem:v40+s21+$0x0] =	vst.idx.msk $0xffff, v63  }
0xa9: {  	s22 =	sshll.u32 s17, $0x12;
	[tilespmem:v5+s21+$0x0] =	vst.idx.msk $0xffff, v7  }
0xaa: {  	s22 =	sor.u32 s9, s22;
	[tilespmem:v9+s21+$0x0] =	vst.idx.msk $0xffff, v11  }
0xab: {  	s22 =	sshrl.u32 s22, $0x3;
	[tilespmem:v13+s21+$0x0] =	vst.idx.msk $0xffff, v15  }
0xac: {  	s19 =	sadd.s32 $0x3, s19;
	s22 =	sadd.s32 s3, s22;
	[tilespmem:v25+s21+$0x0] =	vst.idx.msk $0xffff, v2  }
0xad: {  	[hbm4b:s22+s4] =	stream.linear.scatter [tilespmem:s21], [sflag:s19], $0x2000, $0x38;
	[tilespmem:$0x8000] =	vst v63  }
0xae: {  	s19 =	sadd.s32 $0x2, s17  }
0xaf: {  	p0 =	sgt.u32 s19, s5  }
0xb0: {  	s19 =	sshll.u32 @!p0 s19, $0xF  }
0xb1: {  	s19 =	sor.u32 @!p0 s7, s19  }
0xb2: {  	s19 =	sshrl.u32 @!p0 s19, $0x3  }
0xb3: {  	s21 =	simm.s32 @!p0 $0x400;
	s22 =	simm.s32 @!p0 $0x7A1400;
	s19 =	sadd.s32 @!p0 s1, s19  }
0xb4: {  	[tilespmem:s20], [sflag:s18] =	stream.strided.gather @!p0 [hbm4b:s19+s21], $0x2000, s22, s21, $0x38;
	[tilespmem:$0x8000] =	vst v63  }
0xb5: {  	p0 =	sne.s32 s17, s5  }
.Ltmp1:
0xb6: {  	_ = 	snop;
	(pc) =	sbr.rel @p0 .LBB2_2-.Ltmp1, $4  }
0xb7: {  	_ = 	snop  }
0xb8: {  	v59 =	vld [tilespmem:$0x1FFE0]  }
0xb9: {  	s31 =	sadd.s32 $0x1, s17;
	v5 =	vld [tilespmem:$0x1FFF0]  }
0xba: {  	v7 =	vmovc v57;
	v9 =	vmov v56;
	v11 =	vmov v52;
	v13 =	vmov v17;
	v15 =	vld [tilespmem:$0x1FFD0];
	s17 =	smov.u32 s31  }
0xbb: {  	s16 =	sadd.s32 $0x1, s16  }
0xbc: {  	_ =	swait.ge [sflag:s10], $0x2000;
	p0 =	sne.s32 s16, s12  }
.Ltmp2:
0xbd: {  	[sflag:s10] =	ssyncset.done $0x0;
	(pc) =	sbr.rel @p0 .LBB2_1-.Ltmp2, $4  }
0xbe: {  	[sflag:s10] =	ssyncadd.s32 $0xFFFFE000  }
0xbf: {  	_ =	swait.ge [sflag:s11], $0x2000  }
0xc0: {  	[sflag:s11] =	ssyncset.done $0x0  }
0xc1: {  	[sflag:s11] =	ssyncadd.s32 $0xFFFFE000  }
0xc2: {  	_ =	sfence.sel $0x180000  }
0xc3: {  	[bflag:$0x0] =	sbarrier.arrive $0xFFFF  }
0xc4: {  	p0 =	sne.s32 s0, $0x0;
	_ =	strace $0x90000047  }
0xc5: {  	s0 =	sadd.s32 @!p0 $0x100000, s2;
	[bflag:$0x2] =	sbarrier.arrive $0xFFFF  }
0xc6: {  	[sflag:s0] =	ssyncadd.tile.s32 @!p0 $0x1;
	_ =	shalt  }
.Lfunc_end2:
_tile_overlayer_lowered:
.L_overlay_start_2:
0xc7: {  	(tag) =	ssettag $0x2  }
0xc8: {  	s0 =	rddreg [dreg:$0x0];
	s2 =	stileid.u32  }
0xc9: {  	s1 =	rddreg [dreg:$0x1];
	p0 =	sne.s32 s2, $0x0  }
0xca: {  	s3 =	rddreg [dreg:$0x2];
	[bflag:$0x3] =	sbarrier.arrive $0xFFFF;
	s2 =	simm.s32 @!p0 $0x1C05  }
0xcb: {  	[timem:s3], [sflag:s2] =	dma.local @!p0 [hbm:s0], s1  }
0xcc: {  	s0 =	simm.s32 @!p0 $0x5  }
0xcd: {  	_ =	swait.ge @!p0 [sflag:s0], s1  }
0xce: {  	s1 =	ssub.s32 @!p0 $0x0, s1;
	[sflag:s0] =	ssyncset.done @!p0 $0x0  }
0xcf: {  	[sflag:s0] =	ssyncadd.s32 @!p0 s1  }
0xd0: {  	[bflag:$0x3] =	sbarrier.arrive $0xFFFF  }
0xd1: {  	_ =	shalt  }

</sc_bundles>
